<compile_context>
chip_gen: v7x
topology: tpu7x:2x2x1
jax: 0.10.2.dev20260603
libtpu: 0.0.44.dev20260713+nightly
codegen_flags: <defaults>
</compile_context>

<pallas_src>
import functools

import jax
import jax.numpy as jnp
from jax import lax
from jax.experimental import pallas as pl
from jax.experimental.pallas import tpu as pltpu
from jax.experimental.pallas import tpu_sc as plsc

TILE = 256
BLK = 128
PAD_ROWS = 768

_SC_CORES = 2
_SC_SUBCORES = 16
_NW = _SC_CORES * _SC_SUBCORES
_SC_BUF_BYTES = 384 * 1024


def _router_body(x_ref, gw_ref, logits_ref, slot_ref, meta_ref):
    s = x_ref.shape[0]
    e = gw_ref.shape[0]
    nt = meta_ref.shape[1]
    p = s + PAD_ROWS
    nblk = s // BLK
    dn = (((1,), (1,)), ((), ()))
    dn2 = (((1,), (0,)), ((), ()))

    logits = lax.dot_general(x_ref[...], gw_ref[...], dn,
                             preferred_element_type=jnp.float32)
    logits_ref[...] = logits

    is_max = (logits == jnp.max(logits, axis=1, keepdims=True)).astype(
        jnp.float32)
    ut_e = (lax.broadcasted_iota(jnp.int32, (e, e), 0)
            <= lax.broadcasted_iota(jnp.int32, (e, e), 1)).astype(jnp.float32)
    first = lax.dot_general(is_max, ut_e, dn2, preferred_element_type=jnp.float32)
    oh = jnp.where((is_max > 0.0) & (first == 1.0), 1.0, 0.0)

    oh3 = oh.reshape(nblk, BLK, e)
    blockcounts = jnp.sum(oh3, axis=1)
    lt_b = (lax.broadcasted_iota(jnp.int32, (nblk, nblk), 1)
            < lax.broadcasted_iota(jnp.int32, (nblk, nblk), 0)).astype(
                jnp.float32)
    blockprefix = lax.dot_general(lt_b, blockcounts, dn2,
                                  preferred_element_type=jnp.float32)
    counts = jnp.sum(blockcounts, axis=0)

    acounts = jnp.floor((counts + 7.0) * 0.125) * 8.0
    lt_e = (lax.broadcasted_iota(jnp.int32, (e, e), 1)
            < lax.broadcasted_iota(jnp.int32, (e, e), 0)).astype(jnp.float32)
    astarts = lax.dot_general(lt_e, acounts.reshape(e, 1), dn2,
                              preferred_element_type=jnp.float32)[:, 0]

    lt_t = (lax.broadcasted_iota(jnp.int32, (BLK, BLK), 1)
            < lax.broadcasted_iota(jnp.int32, (BLK, BLK), 0)).astype(
                jnp.float32)
    for b in range(nblk):
        oh_b = oh3[b]
        rank_b = jnp.sum(
            lax.dot_general(lt_t, oh_b, dn2, preferred_element_type=jnp.float32)
            * oh_b, axis=1)
        base_b = jnp.sum(oh_b * (astarts + blockprefix[b])[None, :], axis=1)
        slot_ref[b * BLK:(b + 1) * BLK] = (rank_b + base_b).astype(jnp.int32)

    tiles_per_e = jnp.floor((counts + (TILE - 1.0)) * (1.0 / TILE))
    cum_excl = lax.dot_general(lt_e, tiles_per_e.reshape(e, 1), dn2,
                               preferred_element_type=jnp.float32)[:, 0]
    cum_incl = cum_excl + tiles_per_e
    i_idx = lax.broadcasted_iota(jnp.int32, (nt, e), 0).astype(jnp.float32)
    tile_e = jnp.minimum(jnp.sum(
        jnp.where(cum_incl[None, :] <= i_idx, 1.0, 0.0), axis=1),
        float(e - 1))
    n_real = jnp.sum(tiles_per_e)
    e_ids = lax.broadcasted_iota(jnp.int32, (e, 1), 0).astype(jnp.float32)[:, 0]
    last_e = jnp.max(jnp.where(counts > 0.0, e_ids, 0.0))
    tile_i0 = lax.broadcasted_iota(jnp.int32, (nt, 1), 0).astype(
        jnp.float32)[:, 0]
    tile_e = jnp.where(tile_i0 < n_real, tile_e, last_e)
    oh_te = jnp.where(
        lax.broadcasted_iota(jnp.int32, (nt, e), 1).astype(jnp.float32)
        == tile_e[:, None], 1.0, 0.0)
    astart_t = jnp.sum(oh_te * astarts[None, :], axis=1)
    cumex_t = jnp.sum(oh_te * cum_excl[None, :], axis=1)
    tile_i = lax.broadcasted_iota(jnp.int32, (nt, 1), 0).astype(
        jnp.float32)[:, 0]
    tile_start = jnp.clip(astart_t + (tile_i - cumex_t) * TILE,
                          0.0, float(p - TILE))
    row = lax.broadcasted_iota(jnp.int32, (8, nt), 0)
    meta = jnp.where(row == 0, tile_e[None, :],
                     jnp.where(row == 1, tile_start[None, :], n_real))
    meta_ref[...] = meta.astype(jnp.int32)


def _router(flat, gate_w, nt):
    s, _ = flat.shape
    e = gate_w.shape[0]
    return pl.pallas_call(
        _router_body,
        out_shape=(
            jax.ShapeDtypeStruct((s, e), jnp.float32),
            jax.ShapeDtypeStruct((s,), jnp.int32),
            jax.ShapeDtypeStruct((8, nt), jnp.int32),
        ),
    )(flat, gate_w)


def _ffn_body(meta_ref, xs_ref, wg_ref, wu_ref, wd_ref, out_ref):
    t = pl.program_id(0)

    @pl.when(t < meta_ref[2, 0])
    def _():
        base = pl.multiple_of(meta_ref[1, t], 8)
        x = xs_ref[pl.ds(base, TILE), :]
        dn = (((1,), (1,)), ((), ()))
        h1 = lax.dot_general(x, wg_ref[0], dn,
                             preferred_element_type=jnp.float32)
        h2 = lax.dot_general(x, wu_ref[0], dn,
                             preferred_element_type=jnp.float32)
        h = (h1 * jax.nn.sigmoid(h1)) * h2
        out_ref[pl.ds(base, TILE), :] = lax.dot_general(
            h, wd_ref[0], dn, preferred_element_type=jnp.float32)


def _grouped_ffn(x_rows, Wg, Wu, Wd, meta, nt):
    p, d = x_rows.shape
    _, i, _ = Wg.shape
    grid_spec = pltpu.PrefetchScalarGridSpec(
        num_scalar_prefetch=1,
        grid=(nt,),
        in_specs=[
            pl.BlockSpec((p, d), lambda t, m: (0, 0)),
            pl.BlockSpec((1, i, d), lambda t, m: (m[0, t], 0, 0)),
            pl.BlockSpec((1, i, d), lambda t, m: (m[0, t], 0, 0)),
            pl.BlockSpec((1, d, i), lambda t, m: (m[0, t], 0, 0)),
        ],
        out_specs=pl.BlockSpec((p, d), lambda t, m: (0, 0)),
    )
    return pl.pallas_call(
        _ffn_body,
        grid_spec=grid_spec,
        out_shape=jax.ShapeDtypeStruct((p, d), jnp.float32),
        compiler_params=pltpu.CompilerParams(
            dimension_semantics=("arbitrary",)),
    )(meta, x_rows, Wg, Wu, Wd)


def _sc_mesh():
    return plsc.VectorSubcoreMesh(
        core_axis_name="c", subcore_axis_name="s",
        num_cores=_SC_CORES, num_subcores=_SC_SUBCORES)


def _sc_scatter_rows(rows, idx, p):
    n, d = rows.shape
    b_per_w = n // _NW

    @functools.partial(
        pl.kernel,
        out_type=jax.ShapeDtypeStruct((p, d), jnp.float32),
        mesh=_sc_mesh(),
        scratch_types=[
            pltpu.VMEM((b_per_w,), jnp.int32),
            pltpu.VMEM((b_per_w, d), jnp.float32),
            pltpu.SemaphoreType.DMA,
        ],
    )
    def k(rows_hbm, idx_hbm, out_hbm, idx_v, rows_v, sem):
        wid = lax.axis_index("s") * _SC_CORES + lax.axis_index("c")
        base = wid * b_per_w
        pltpu.sync_copy(idx_hbm.at[pl.ds(base, b_per_w)], idx_v)
        pltpu.sync_copy(rows_hbm.at[pl.ds(base, b_per_w)], rows_v)
        pltpu.async_copy(rows_v, out_hbm.at[idx_v], sem).wait()

    return k(rows, idx)


def _sc_gather_rows(table, idx):
    _, d = table.shape
    n = idx.shape[0]
    b_per_w = n // _NW
    n_chunks = 1
    while (b_per_w // n_chunks) * d * 4 > _SC_BUF_BYTES:
        n_chunks *= 2
    chunk = b_per_w // n_chunks

    @functools.partial(
        pl.kernel,
        out_type=jax.ShapeDtypeStruct((n, d), jnp.float32),
        mesh=_sc_mesh(),
        scratch_types=[
            pltpu.VMEM((chunk,), jnp.int32),
            pltpu.VMEM((chunk, d), jnp.float32),
            pltpu.SemaphoreType.DMA,
        ],
    )
    def k(table_hbm, idx_hbm, out_hbm, idx_v, rows_v, sem):
        wid = lax.axis_index("s") * _SC_CORES + lax.axis_index("c")
        base = wid * b_per_w
        for c in range(n_chunks):
            off = base + c * chunk
            pltpu.sync_copy(idx_hbm.at[pl.ds(off, chunk)], idx_v)
            pltpu.async_copy(table_hbm.at[idx_v], rows_v, sem).wait()
            pltpu.sync_copy(rows_v, out_hbm.at[pl.ds(off, chunk)])

    return k(table, idx)


def kernel(hidden_states, gate_w, Wg, Wu, Wd):
    bsz, seq_len, d = hidden_states.shape
    e = gate_w.shape[0]
    flat = hidden_states.reshape(-1, d)
    s = flat.shape[0]
    p = s + PAD_ROWS
    nt = s // TILE + e

    logits, token_slot, meta = _router(flat, gate_w, nt)

    x_rows = _sc_scatter_rows(flat, token_slot, p)
    out_rows = _grouped_ffn(x_rows, Wg, Wu, Wd, meta, nt)
    out_flat = _sc_gather_rows(out_rows, token_slot)

    return out_flat.reshape(bsz, seq_len, d), logits

# --- scband reference (transcript-rebuilt; emitter-appended) ---
"""Pipeline reference for scband-llama4-mo-elayer-37933151158623 (READ-ONLY COPY).

The authoritative reference and input builder live on the scoring server;
editing this copy changes nothing except your own understanding.
"""

import jax, jax.numpy as jnp
import numpy as np

E = 64
TOPK = 1
D = 768
I = 1024
B = 1
S = 2048


def setup_inputs(seed: int = 0) -> dict:
    key = jax.random.key(seed)
    ks = jax.random.split(key, 5)
    hidden_states = jax.random.normal(ks[0], (B, S, D), dtype=jnp.float32)
    gate_w = jax.random.normal(ks[1], (E, D), dtype=jnp.float32) * 0.02
    Wg = jax.random.normal(ks[2], (E, I, D), dtype=jnp.float32) * 0.02
    Wu = jax.random.normal(ks[3], (E, I, D), dtype=jnp.float32) * 0.02
    Wd = jax.random.normal(ks[4], (E, D, I), dtype=jnp.float32) * 0.02
    return {"hidden_states": hidden_states, "gate_w": gate_w, "Wg": Wg, "Wu": Wu, "Wd": Wd}


def reference(hidden_states, gate_w, Wg, Wu, Wd):
    bsz, seq_len, dim = hidden_states.shape
    flat = hidden_states.reshape(-1, dim)
    # Router: logits -> softmax -> top-k -> renormalize
    router_logits = flat @ gate_w.T
    scores = jax.nn.softmax(router_logits, axis=-1)
    topk_weights, topk_indices = jax.lax.top_k(scores, TOPK)
    topk_weights = topk_weights / topk_weights.sum(axis=-1, keepdims=True)
    output = jnp.zeros_like(flat)
    for k in range(TOPK):
        for e in range(E):
            h = jax.nn.silu(flat @ Wg[e].T) * (flat @ Wu[e].T)
            expert_out = h @ Wd[e].T
            w = jnp.where(topk_indices[:, k] == e, topk_weights[:, k], 0.0)[:, None]
            output = output + w * expert_out
    return output.reshape(bsz, seq_len, dim), router_logits

if __name__ == "__main__":
    import jax
    _d = setup_inputs()
    print(jax.jit(kernel)(*tuple(_d.values())))

</pallas_src>

<mosaic_0001>
#map = affine_map<(d0, d1) -> (0, 0)>
#map1 = affine_map<(d0, d1) -> (0)>
module attributes {stable_mosaic.version = 14 : i64} {
  func.func @k(%arg0: i32, %arg1: i32, %arg2: memref<2816x768xf32, #tpu.memory_space<hbm>>, %arg3: memref<2048xi32, #tpu.memory_space<hbm>>, %arg4: memref<2048x768xf32, #tpu.memory_space<hbm>>, %arg5: memref<64xi32, #tpu.memory_space<vmem>>, %arg6: memref<64x768xf32, #tpu.memory_space<vmem>>, %arg7: memref<!tpu.dma_semaphore, #tpu.memory_space<semaphore_mem>>) attributes {dimension_semantics = [#tpu.dimension_semantics<core_parallel>, #tpu.dimension_semantics<subcore_parallel>], iteration_bounds = array<i64: 2, 16>, scalar_prefetch = 0 : i64, scratch_operands = 3 : i64, tpu.core_type = #tpu.core_type<sc_vector_subcore>, window_params = [{transform_indices = #map}, {transform_indices = #map1}, {transform_indices = #map}]} {
    %mul3A = arith.constant 2 : i32
    %mul3A_0 = arith.muli %arg1, %mul3A : i32
    %add3A = arith.addi %mul3A_0, %arg0 : i32
    %mul3A_1 = arith.constant 64 : i32
    %mul3A_2 = arith.muli %add3A, %mul3A_1 : i32
    %add3A_3 = arith.constant 0 : i32
    %add3A_4 = arith.addi %mul3A_2, %add3A_3 : i32
    "tpu.region"() ({
      %run_scoped3A = tpu.sem_alloc : memref<!tpu.dma_semaphore, #tpu.memory_space<semaphore_mem>>
      %dma_start3A_9 = tpu.memref_slice %arg3[%add3A_4] : memref<2048xi32, #tpu.memory_space<hbm>> -> memref<64xi32, #tpu.memory_space<hbm>>
      %dma_start3A_10 = tpu.memref_slice %arg3[%add3A_4] : memref<2048xi32, #tpu.memory_space<hbm>> -> memref<64xi32, #tpu.memory_space<hbm>>
      tpu.enqueue_dma source(%dma_start3A_10 : memref<64xi32, #tpu.memory_space<hbm>>) target(%arg5 : memref<64xi32, #tpu.memory_space<vmem>>) target_semaphore(%run_scoped3A : memref<!tpu.dma_semaphore, #tpu.memory_space<semaphore_mem>>)
      %dma_wait3A_11 = tpu.memref_slice %arg3[%add3A_4] : memref<2048xi32, #tpu.memory_space<hbm>> -> memref<64xi32, #tpu.memory_space<hbm>>
      %dma_wait3A_12 = tpu.memref_slice %arg3[%add3A_4] : memref<2048xi32, #tpu.memory_space<hbm>> -> memref<64xi32, #tpu.memory_space<hbm>>
      tpu.wait_dma2 semaphore(%run_scoped3A : memref<!tpu.dma_semaphore, #tpu.memory_space<semaphore_mem>>) src(%dma_wait3A_12 : memref<64xi32, #tpu.memory_space<hbm>>) dst(%arg5 : memref<64xi32, #tpu.memory_space<vmem>>)
      tpu.yield
    }) : () -> ()
    %dma_start3A = arith.constant 0 : i32
    %dma_start3A_5 = arith.constant 0 : i32
    %dma_start3A_6 = tpu.memref_slice %arg2[%dma_start3A, %dma_start3A_5] : memref<2816x768xf32, #tpu.memory_space<hbm>> -> memref<2816x768xf32, #tpu.memory_space<hbm>>
    tpu.enqueue_indirect_dma source(%dma_start3A_6 : memref<2816x768xf32, #tpu.memory_space<hbm>>) target(%arg6 : memref<64x768xf32, #tpu.memory_space<vmem>>) offsets(%arg5 : memref<64xi32, #tpu.memory_space<vmem>>) semaphore(%arg7 : memref<!tpu.dma_semaphore, #tpu.memory_space<semaphore_mem>>)
    %dma_wait3A = arith.constant 0 : i32
    %dma_wait3A_7 = arith.constant 0 : i32
    %dma_wait3A_8 = tpu.memref_slice %arg2[%dma_wait3A, %dma_wait3A_7] : memref<2816x768xf32, #tpu.memory_space<hbm>> -> memref<2816x768xf32, #tpu.memory_space<hbm>>
    tpu.wait_indirect_dma semaphore(%arg7 : memref<!tpu.dma_semaphore, #tpu.memory_space<semaphore_mem>>) src(%dma_wait3A_8 : memref<2816x768xf32, #tpu.memory_space<hbm>>) dst(%arg6 : memref<64x768xf32, #tpu.memory_space<vmem>>)
    "tpu.region"() ({
      %run_scoped3A = tpu.sem_alloc : memref<!tpu.dma_semaphore, #tpu.memory_space<semaphore_mem>>
      %dma_start3A_9 = arith.constant 0 : i32
      %dma_start3A_10 = tpu.memref_slice %arg4[%add3A_4, %dma_start3A_9] : memref<2048x768xf32, #tpu.memory_space<hbm>> -> memref<64x768xf32, #tpu.memory_space<hbm>>
      %dma_start3A_11 = arith.constant 0 : i32
      %dma_start3A_12 = tpu.memref_slice %arg4[%add3A_4, %dma_start3A_11] : memref<2048x768xf32, #tpu.memory_space<hbm>> -> memref<64x768xf32, #tpu.memory_space<hbm>>
      tpu.enqueue_dma source(%arg6 : memref<64x768xf32, #tpu.memory_space<vmem>>) target(%dma_start3A_12 : memref<64x768xf32, #tpu.memory_space<hbm>>) target_semaphore(%run_scoped3A : memref<!tpu.dma_semaphore, #tpu.memory_space<semaphore_mem>>)
      %dma_wait3A_13 = arith.constant 0 : i32
      %dma_wait3A_14 = tpu.memref_slice %arg4[%add3A_4, %dma_wait3A_13] : memref<2048x768xf32, #tpu.memory_space<hbm>> -> memref<64x768xf32, #tpu.memory_space<hbm>>
      %dma_wait3A_15 = arith.constant 0 : i32
      %dma_wait3A_16 = tpu.memref_slice %arg4[%add3A_4, %dma_wait3A_15] : memref<2048x768xf32, #tpu.memory_space<hbm>> -> memref<64x768xf32, #tpu.memory_space<hbm>>
      tpu.wait_dma2 semaphore(%run_scoped3A : memref<!tpu.dma_semaphore, #tpu.memory_space<semaphore_mem>>) src(%arg6 : memref<64x768xf32, #tpu.memory_space<vmem>>) dst(%dma_wait3A_16 : memref<64x768xf32, #tpu.memory_space<hbm>>)
      tpu.yield
    }) : () -> ()
    return
  }
}

#map = affine_map<(d0, d1) -> (0, 0)>
#map1 = affine_map<(d0, d1) -> (0)>
module attributes {stable_mosaic.version = 14 : i64} {
  func.func @k(%arg0: i32, %arg1: i32, %arg2: memref<2048x768xf32, #tpu.memory_space<hbm>>, %arg3: memref<2048xi32, #tpu.memory_space<hbm>>, %arg4: memref<2816x768xf32, #tpu.memory_space<hbm>>, %arg5: memref<64xi32, #tpu.memory_space<vmem>>, %arg6: memref<64x768xf32, #tpu.memory_space<vmem>>, %arg7: memref<!tpu.dma_semaphore, #tpu.memory_space<semaphore_mem>>) attributes {dimension_semantics = [#tpu.dimension_semantics<core_parallel>, #tpu.dimension_semantics<subcore_parallel>], iteration_bounds = array<i64: 2, 16>, scalar_prefetch = 0 : i64, scratch_operands = 3 : i64, tpu.core_type = #tpu.core_type<sc_vector_subcore>, window_params = [{transform_indices = #map}, {transform_indices = #map1}, {transform_indices = #map}]} {
    %mul3A = arith.constant 2 : i32
    %mul3A_0 = arith.muli %arg1, %mul3A : i32
    %add3A = arith.addi %mul3A_0, %arg0 : i32
    %mul3A_1 = arith.constant 64 : i32
    %mul3A_2 = arith.muli %add3A, %mul3A_1 : i32
    "tpu.region"() ({
      %run_scoped3A = tpu.sem_alloc : memref<!tpu.dma_semaphore, #tpu.memory_space<semaphore_mem>>
      %dma_start3A_7 = tpu.memref_slice %arg3[%mul3A_2] : memref<2048xi32, #tpu.memory_space<hbm>> -> memref<64xi32, #tpu.memory_space<hbm>>
      %dma_start3A_8 = tpu.memref_slice %arg3[%mul3A_2] : memref<2048xi32, #tpu.memory_space<hbm>> -> memref<64xi32, #tpu.memory_space<hbm>>
      tpu.enqueue_dma source(%dma_start3A_8 : memref<64xi32, #tpu.memory_space<hbm>>) target(%arg5 : memref<64xi32, #tpu.memory_space<vmem>>) target_semaphore(%run_scoped3A : memref<!tpu.dma_semaphore, #tpu.memory_space<semaphore_mem>>)
      %dma_wait3A_9 = tpu.memref_slice %arg3[%mul3A_2] : memref<2048xi32, #tpu.memory_space<hbm>> -> memref<64xi32, #tpu.memory_space<hbm>>
      %dma_wait3A_10 = tpu.memref_slice %arg3[%mul3A_2] : memref<2048xi32, #tpu.memory_space<hbm>> -> memref<64xi32, #tpu.memory_space<hbm>>
      tpu.wait_dma2 semaphore(%run_scoped3A : memref<!tpu.dma_semaphore, #tpu.memory_space<semaphore_mem>>) src(%dma_wait3A_10 : memref<64xi32, #tpu.memory_space<hbm>>) dst(%arg5 : memref<64xi32, #tpu.memory_space<vmem>>)
      tpu.yield
    }) : () -> ()
    "tpu.region"() ({
      %run_scoped3A = tpu.sem_alloc : memref<!tpu.dma_semaphore, #tpu.memory_space<semaphore_mem>>
      %dma_start3A_7 = arith.constant 0 : i32
      %dma_start3A_8 = tpu.memref_slice %arg2[%mul3A_2, %dma_start3A_7] : memref<2048x768xf32, #tpu.memory_space<hbm>> -> memref<64x768xf32, #tpu.memory_space<hbm>>
      %dma_start3A_9 = arith.constant 0 : i32
      %dma_start3A_10 = tpu.memref_slice %arg2[%mul3A_2, %dma_start3A_9] : memref<2048x768xf32, #tpu.memory_space<hbm>> -> memref<64x768xf32, #tpu.memory_space<hbm>>
      tpu.enqueue_dma source(%dma_start3A_10 : memref<64x768xf32, #tpu.memory_space<hbm>>) target(%arg6 : memref<64x768xf32, #tpu.memory_space<vmem>>) target_semaphore(%run_scoped3A : memref<!tpu.dma_semaphore, #tpu.memory_space<semaphore_mem>>)
      %dma_wait3A_11 = arith.constant 0 : i32
      %dma_wait3A_12 = tpu.memref_slice %arg2[%mul3A_2, %dma_wait3A_11] : memref<2048x768xf32, #tpu.memory_space<hbm>> -> memref<64x768xf32, #tpu.memory_space<hbm>>
      %dma_wait3A_13 = arith.constant 0 : i32
      %dma_wait3A_14 = tpu.memref_slice %arg2[%mul3A_2, %dma_wait3A_13] : memref<2048x768xf32, #tpu.memory_space<hbm>> -> memref<64x768xf32, #tpu.memory_space<hbm>>
      tpu.wait_dma2 semaphore(%run_scoped3A : memref<!tpu.dma_semaphore, #tpu.memory_space<semaphore_mem>>) src(%dma_wait3A_14 : memref<64x768xf32, #tpu.memory_space<hbm>>) dst(%arg6 : memref<64x768xf32, #tpu.memory_space<vmem>>)
      tpu.yield
    }) : () -> ()
    %dma_start3A = arith.constant 0 : i32
    %dma_start3A_3 = arith.constant 0 : i32
    %dma_start3A_4 = tpu.memref_slice %arg4[%dma_start3A, %dma_start3A_3] : memref<2816x768xf32, #tpu.memory_space<hbm>> -> memref<2816x768xf32, #tpu.memory_space<hbm>>
    tpu.enqueue_indirect_dma source(%arg6 : memref<64x768xf32, #tpu.memory_space<vmem>>) target(%dma_start3A_4 : memref<2816x768xf32, #tpu.memory_space<hbm>>) offsets(%arg5 : memref<64xi32, #tpu.memory_space<vmem>>) semaphore(%arg7 : memref<!tpu.dma_semaphore, #tpu.memory_space<semaphore_mem>>)
    %dma_wait3A = arith.constant 0 : i32
    %dma_wait3A_5 = arith.constant 0 : i32
    %dma_wait3A_6 = tpu.memref_slice %arg4[%dma_wait3A, %dma_wait3A_5] : memref<2816x768xf32, #tpu.memory_space<hbm>> -> memref<2816x768xf32, #tpu.memory_space<hbm>>
    tpu.wait_indirect_dma semaphore(%arg7 : memref<!tpu.dma_semaphore, #tpu.memory_space<semaphore_mem>>) src(%arg6 : memref<64x768xf32, #tpu.memory_space<vmem>>) dst(%dma_wait3A_6 : memref<2816x768xf32, #tpu.memory_space<hbm>>)
    return
  }
}

module attributes {stable_mosaic.version = 14 : i64} {
  func.func @_ffn_body(%arg0: i32, %arg1: memref<8x72xi32, #tpu.memory_space<smem>>, %arg2: memref<2816x768xf32, #tpu.memory_space<vmem>>, %arg3: memref<1x1024x768xf32, #tpu.memory_space<vmem>>, %arg4: memref<1x1024x768xf32, #tpu.memory_space<vmem>>, %arg5: memref<1x768x1024xf32, #tpu.memory_space<vmem>>, %arg6: memref<2816x768xf32, #tpu.memory_space<vmem>>) attributes {dimension_semantics = [#tpu.dimension_semantics<arbitrary>], iteration_bounds = array<i64: 72>, scalar_prefetch = 1 : i64, scratch_operands = 0 : i64, tpu.core_type = #tpu.core_type<tc>, window_params = [{pipeline_mode = #tpu.pipeline_mode<synchronous>, transform_indices = @transform_0, window_bounds = array<i64: 2816, 768>}, {transform_indices = @transform_1, window_bounds = array<i64: 1, 1024, 768>}, {transform_indices = @transform_2, window_bounds = array<i64: 1, 1024, 768>}, {transform_indices = @transform_3, window_bounds = array<i64: 1, 768, 1024>}, {pipeline_mode = #tpu.pipeline_mode<synchronous>, transform_indices = @transform_4, window_bounds = array<i64: 2816, 768>}]} {
    %get3A = arith.constant 2 : index
    %get3A_0 = arith.constant 0 : index
    %get3A_1 = memref.load %arg1[%get3A, %get3A_0] : memref<8x72xi32, #tpu.memory_space<smem>>
    %lt3A = arith.cmpi slt, %arg0, %get3A_1 : i32
    %convert_element_type3A = arith.extui %lt3A : i1 to i32
    %cond3A = arith.constant 0 : i32
    %cond3A_2 = arith.cmpi ne, %convert_element_type3A, %cond3A : i32
    scf.if %cond3A_2 {
      %get3A_3 = arith.constant 1 : index
      %get3A_4 = arith.index_cast %arg0 : i32 to index
      %get3A_5 = memref.load %arg1[%get3A_3, %get3A_4] : memref<8x72xi32, #tpu.memory_space<smem>>
      %multiple_of3A = tpu.assume_multiple %get3A_5, 8 : i32
      %get3A_6 = arith.index_cast %multiple_of3A : i32 to index
      %get3A_7 = arith.constant 0 : index
      %get3A_8 = vector.load %arg2[%get3A_6, %get3A_7] : memref<2816x768xf32, #tpu.memory_space<vmem>>, vector<256x768xf32>
      %get3A_9 = arith.constant 0 : index
      %get3A_10 = arith.constant 0 : index
      %get3A_11 = arith.constant 0 : index
      %get3A_12 = vector.load %arg3[%get3A_9, %get3A_10, %get3A_11] : memref<1x1024x768xf32, #tpu.memory_space<vmem>>, vector<1x1024x768xf32>
      %get3A_13 = vector.shape_cast %get3A_12 : vector<1x1024x768xf32> to vector<1024x768xf32>
      %dot_general3A = arith.constant dense<0.000000e+00> : vector<256x1024xf32>
      %dot_general3A_14 = tpu.matmul %get3A_8, %get3A_13, %dot_general3A {dimension_numbers = #tpu.dot_dimension_numbers<[1], [1], [0], [0], [0, 0, 1, 0], [], []>, transpose_lhs_hint = false} : vector<256x768xf32>, vector<1024x768xf32>, vector<256x1024xf32> -> vector<256x1024xf32>
      %get3A_15 = arith.constant 0 : index
      %get3A_16 = arith.constant 0 : index
      %get3A_17 = arith.constant 0 : index
      %get3A_18 = vector.load %arg4[%get3A_15, %get3A_16, %get3A_17] : memref<1x1024x768xf32, #tpu.memory_space<vmem>>, vector<1x1024x768xf32>
      %get3A_19 = vector.shape_cast %get3A_18 : vector<1x1024x768xf32> to vector<1024x768xf32>
      %dot_general3A_20 = arith.constant dense<0.000000e+00> : vector<256x1024xf32>
      %dot_general3A_21 = tpu.matmul %get3A_8, %get3A_19, %dot_general3A_20 {dimension_numbers = #tpu.dot_dimension_numbers<[1], [1], [0], [0], [0, 0, 1, 0], [], []>, transpose_lhs_hint = false} : vector<256x768xf32>, vector<1024x768xf32>, vector<256x1024xf32> -> vector<256x1024xf32>
      %logistic3A = arith.negf %dot_general3A_14 : vector<256x1024xf32>
      %logistic3A_22 = math.exp %logistic3A : vector<256x1024xf32>
      %logistic3A_23 = arith.constant 1.000000e+00 : f32
      %logistic3A_24 = vector.broadcast %logistic3A_23 : f32 to vector<256x1024xf32>
      %logistic3A_25 = arith.addf %logistic3A_24, %logistic3A_22 : vector<256x1024xf32>
      %logistic3A_26 = arith.divf %logistic3A_24, %logistic3A_25 : vector<256x1024xf32>
      %mul3A = arith.mulf %dot_general3A_14, %logistic3A_26 : vector<256x1024xf32>
      %mul3A_27 = arith.mulf %mul3A, %dot_general3A_21 : vector<256x1024xf32>
      %get3A_28 = arith.constant 0 : index
      %get3A_29 = arith.constant 0 : index
      %get3A_30 = arith.constant 0 : index
      %get3A_31 = vector.load %arg5[%get3A_28, %get3A_29, %get3A_30] : memref<1x768x1024xf32, #tpu.memory_space<vmem>>, vector<1x768x1024xf32>
      %get3A_32 = vector.shape_cast %get3A_31 : vector<1x768x1024xf32> to vector<768x1024xf32>
      %dot_general3A_33 = arith.constant dense<0.000000e+00> : vector<256x768xf32>
      %dot_general3A_34 = tpu.matmul %mul3A_27, %get3A_32, %dot_general3A_33 {dimension_numbers = #tpu.dot_dimension_numbers<[1], [1], [0], [0], [0, 0, 1, 0], [], []>, transpose_lhs_hint = false} : vector<256x1024xf32>, vector<768x1024xf32>, vector<256x768xf32> -> vector<256x768xf32>
      %swap3A = arith.index_cast %multiple_of3A : i32 to index
      %swap3A_35 = arith.constant 0 : index
      %swap3A_36 = vector.load %arg6[%swap3A, %swap3A_35] : memref<2816x768xf32, #tpu.memory_space<vmem>>, vector<256x768xf32>
      tpu.vector_store %arg6[%swap3A, %swap3A_35], %dot_general3A_34 {strides = array<i32>} : memref<2816x768xf32, #tpu.memory_space<vmem>>, vector<256x768xf32>,
    } else {
    }
    return
  }
  func.func @transform_0(%arg0: i32, %arg1: memref<8x72xi32, #tpu.memory_space<smem>>) -> (i32, i32) {
    %c0_i32 = arith.constant 0 : i32
    %c0_i32_0 = arith.constant 0 : i32
    %c0_i32_1 = arith.constant 0 : i32
    return %c0_i32, %c0_i32_0 : i32, i32
  }
  func.func @transform_1(%arg0: i32, %arg1: memref<8x72xi32, #tpu.memory_space<smem>>) -> (i32, i32, i32) {
    %get3A = arith.constant 0 : index
    %get3A_0 = arith.index_cast %arg0 : i32 to index
    %get3A_1 = memref.load %arg1[%get3A, %get3A_0] : memref<8x72xi32, #tpu.memory_space<smem>>
    %c0_i32 = arith.constant 0 : i32
    %c0_i32_2 = arith.constant 0 : i32
    %c0_i32_3 = arith.constant 0 : i32
    return %get3A_1, %c0_i32, %c0_i32_2 : i32, i32, i32
  }
  func.func @transform_2(%arg0: i32, %arg1: memref<8x72xi32, #tpu.memory_space<smem>>) -> (i32, i32, i32) {
    %get3A = arith.constant 0 : index
    %get3A_0 = arith.index_cast %arg0 : i32 to index
    %get3A_1 = memref.load %arg1[%get3A, %get3A_0] : memref<8x72xi32, #tpu.memory_space<smem>>
    %c0_i32 = arith.constant 0 : i32
    %c0_i32_2 = arith.constant 0 : i32
    %c0_i32_3 = arith.constant 0 : i32
    return %get3A_1, %c0_i32, %c0_i32_2 : i32, i32, i32
  }
  func.func @transform_3(%arg0: i32, %arg1: memref<8x72xi32, #tpu.memory_space<smem>>) -> (i32, i32, i32) {
    %get3A = arith.constant 0 : index
    %get3A_0 = arith.index_cast %arg0 : i32 to index
    %get3A_1 = memref.load %arg1[%get3A, %get3A_0] : memref<8x72xi32, #tpu.memory_space<smem>>
    %c0_i32 = arith.constant 0 : i32
    %c0_i32_2 = arith.constant 0 : i32
    %c0_i32_3 = arith.constant 0 : i32
    return %get3A_1, %c0_i32, %c0_i32_2 : i32, i32, i32
  }
  func.func @transform_4(%arg0: i32, %arg1: memref<8x72xi32, #tpu.memory_space<smem>>) -> (i32, i32) {
    %c0_i32 = arith.constant 0 : i32
    %c0_i32_0 = arith.constant 0 : i32
    %c0_i32_1 = arith.constant 0 : i32
    return %c0_i32, %c0_i32_0 : i32, i32
  }
}

module attributes {stable_mosaic.version = 14 : i64} {
  func.func @_router_body(%arg0: memref<2048x768xf32, #tpu.memory_space<vmem>>, %arg1: memref<64x768xf32, #tpu.memory_space<vmem>>, %arg2: memref<2048x64xf32, #tpu.memory_space<vmem>>, %arg3: memref<2048xi32, #tpu.memory_space<vmem>>, %arg4: memref<8x72xi32, #tpu.memory_space<vmem>>) attributes {dimension_semantics = [], scalar_prefetch = 0 : i64, scratch_operands = 0 : i64, tpu.core_type = #tpu.core_type<tc>} {
    %get3A = arith.constant 0 : index
    %get3A_0 = arith.constant 0 : index
    %get3A_1 = vector.load %arg0[%get3A, %get3A_0] : memref<2048x768xf32, #tpu.memory_space<vmem>>, vector<2048x768xf32>
    %get3A_2 = arith.constant 0 : index
    %get3A_3 = arith.constant 0 : index
    %get3A_4 = vector.load %arg1[%get3A_2, %get3A_3] : memref<64x768xf32, #tpu.memory_space<vmem>>, vector<64x768xf32>
    %dot_general3A = arith.constant dense<0.000000e+00> : vector<2048x64xf32>
    %dot_general3A_5 = tpu.matmul %get3A_1, %get3A_4, %dot_general3A {dimension_numbers = #tpu.dot_dimension_numbers<[1], [1], [0], [0], [0, 0, 1, 0], [], []>, transpose_lhs_hint = false} : vector<2048x768xf32>, vector<64x768xf32>, vector<2048x64xf32> -> vector<2048x64xf32>
    %swap3A = arith.constant 0 : index
    %swap3A_6 = arith.constant 0 : index
    %swap3A_7 = vector.load %arg2[%swap3A, %swap3A_6] : memref<2048x64xf32, #tpu.memory_space<vmem>>, vector<2048x64xf32>
    tpu.vector_store %arg2[%swap3A, %swap3A_6], %dot_general3A_5 {strides = array<i32>} : memref<2048x64xf32, #tpu.memory_space<vmem>>, vector<2048x64xf32>,
    %reduce_max3A = arith.constant dense<0xFF800000> : vector<2048xf32>
    %reduce_max3A_8 = vector.multi_reduction <maximumf>, %dot_general3A_5, %reduce_max3A [1] : vector<2048x64xf32> to vector<2048xf32>
    %broadcast_in_dim3A = vector.shape_cast %reduce_max3A_8 : vector<2048xf32> to vector<2048x1xf32>
    %eq3A = vector.broadcast %broadcast_in_dim3A : vector<2048x1xf32> to vector<2048x64xf32>
    %eq3A_9 = arith.cmpf oeq, %dot_general3A_5, %eq3A : vector<2048x64xf32>
    %convert_element_type3A = arith.extui %eq3A_9 : vector<2048x64xi1> to vector<2048x64xi32>
    %convert_element_type3A_10 = arith.sitofp %convert_element_type3A : vector<2048x64xi32> to vector<2048x64xf32>
    %iota3A = tpu.iota {dimensions = array<i32: 0>} : vector<64x64xi32>
    %iota3A_11 = tpu.iota {dimensions = array<i32: 1>} : vector<64x64xi32>
    %le3A = arith.cmpi sle, %iota3A, %iota3A_11 : vector<64x64xi32>
    %convert_element_type3A_12 = arith.extui %le3A : vector<64x64xi1> to vector<64x64xi32>
    %convert_element_type3A_13 = arith.sitofp %convert_element_type3A_12 : vector<64x64xi32> to vector<64x64xf32>
    %dot_general3A_14 = arith.constant dense<0.000000e+00> : vector<2048x64xf32>
    %dot_general3A_15 = tpu.matmul %convert_element_type3A_10, %convert_element_type3A_13, %dot_general3A_14 {dimension_numbers = #tpu.dot_dimension_numbers<[1], [0], [0], [1], [0, 0, 1, 1], [], []>, transpose_lhs_hint = false} : vector<2048x64xf32>, vector<64x64xf32>, vector<2048x64xf32> -> vector<2048x64xf32>
    %gt3A = arith.constant 0.000000e+00 : f32
    %gt3A_16 = vector.broadcast %gt3A : f32 to vector<2048x64xf32>
    %gt3A_17 = arith.cmpf ogt, %convert_element_type3A_10, %gt3A_16 : vector<2048x64xf32>
    %eq3A_18 = arith.constant 1.000000e+00 : f32
    %eq3A_19 = vector.broadcast %eq3A_18 : f32 to vector<2048x64xf32>
    %eq3A_20 = arith.cmpf oeq, %dot_general3A_15, %eq3A_19 : vector<2048x64xf32>
    %and3A = arith.andi %gt3A_17, %eq3A_20 : vector<2048x64xi1>
    %jit3A = arith.constant 1.000000e+00 : f32
    %jit3A_21 = arith.constant 0.000000e+00 : f32
    %broadcast_in_dim3A_22 = vector.broadcast %jit3A : f32 to vector<2048x64xf32>
    %broadcast_in_dim3A_23 = vector.broadcast %jit3A_21 : f32 to vector<2048x64xf32>
    %select_n3A = arith.select %and3A, %broadcast_in_dim3A_22, %broadcast_in_dim3A_23 : vector<2048x64xi1>, vector<2048x64xf32>
    %reshape3A = vector.shape_cast %select_n3A : vector<2048x64xf32> to vector<16x128x64xf32>
    %reduce_sum3A = arith.constant dense<0.000000e+00> : vector<16x64xf32>
    %reduce_sum3A_24 = vector.multi_reduction <add>, %reshape3A, %reduce_sum3A [1] : vector<16x128x64xf32> to vector<16x64xf32>
    %iota3A_25 = tpu.iota {dimensions = array<i32: 1>} : vector<16x16xi32>
    %iota3A_26 = tpu.iota {dimensions = array<i32: 0>} : vector<16x16xi32>
    %lt3A = arith.cmpi slt, %iota3A_25, %iota3A_26 : vector<16x16xi32>
    %convert_element_type3A_27 = arith.extui %lt3A : vector<16x16xi1> to vector<16x16xi32>
    %convert_element_type3A_28 = arith.sitofp %convert_element_type3A_27 : vector<16x16xi32> to vector<16x16xf32>
    %dot_general3A_29 = arith.constant dense<0.000000e+00> : vector<16x64xf32>
    %dot_general3A_30 = tpu.matmul %convert_element_type3A_28, %reduce_sum3A_24, %dot_general3A_29 {dimension_numbers = #tpu.dot_dimension_numbers<[1], [0], [0], [1], [0, 0, 1, 1], [], []>, transpose_lhs_hint = false} : vector<16x16xf32>, vector<16x64xf32>, vector<16x64xf32> -> vector<16x64xf32>
    %reduce_sum3A_31 = arith.constant dense<0.000000e+00> : vector<64xf32>
    %reduce_sum3A_32 = vector.multi_reduction <add>, %reduce_sum3A_24, %reduce_sum3A_31 [0] : vector<16x64xf32> to vector<64xf32>
    %add3A = arith.constant 7.000000e+00 : f32
    %add3A_33 = vector.broadcast %add3A : f32 to vector<64xf32>
    %add3A_34 = arith.addf %reduce_sum3A_32, %add3A_33 : vector<64xf32>
    %mul3A = arith.constant 1.250000e-01 : f32
    %mul3A_35 = vector.broadcast %mul3A : f32 to vector<64xf32>
    %mul3A_36 = arith.mulf %add3A_34, %mul3A_35 : vector<64xf32>
    %floor3A = math.floor %mul3A_36 : vector<64xf32>
    %mul3A_37 = arith.constant 8.000000e+00 : f32
    %mul3A_38 = vector.broadcast %mul3A_37 : f32 to vector<64xf32>
    %mul3A_39 = arith.mulf %floor3A, %mul3A_38 : vector<64xf32>
    %iota3A_40 = tpu.iota {dimensions = array<i32: 1>} : vector<64x64xi32>
    %iota3A_41 = tpu.iota {dimensions = array<i32: 0>} : vector<64x64xi32>
    %lt3A_42 = arith.cmpi slt, %iota3A_40, %iota3A_41 : vector<64x64xi32>
    %convert_element_type3A_43 = arith.extui %lt3A_42 : vector<64x64xi1> to vector<64x64xi32>
    %convert_element_type3A_44 = arith.sitofp %convert_element_type3A_43 : vector<64x64xi32> to vector<64x64xf32>
    %reshape3A_45 = vector.shape_cast %mul3A_39 : vector<64xf32> to vector<64x1xf32>
    %dot_general3A_46 = arith.constant dense<0.000000e+00> : vector<64x1xf32>
    %dot_general3A_47 = tpu.matmul %convert_element_type3A_44, %reshape3A_45, %dot_general3A_46 {dimension_numbers = #tpu.dot_dimension_numbers<[1], [0], [0], [1], [0, 0, 1, 1], [], []>, transpose_lhs_hint = false} : vector<64x64xf32>, vector<64x1xf32>, vector<64x1xf32> -> vector<64x1xf32>
    %squeeze3A = vector.shape_cast %dot_general3A_47 : vector<64x1xf32> to vector<64xf32>
    %iota3A_48 = tpu.iota {dimensions = array<i32: 1>} : vector<128x128xi32>
    %iota3A_49 = tpu.iota {dimensions = array<i32: 0>} : vector<128x128xi32>
    %lt3A_50 = arith.cmpi slt, %iota3A_48, %iota3A_49 : vector<128x128xi32>
    %convert_element_type3A_51 = arith.extui %lt3A_50 : vector<128x128xi1> to vector<128x128xi32>
    %convert_element_type3A_52 = arith.sitofp %convert_element_type3A_51 : vector<128x128xi32> to vector<128x128xf32>
    %slice3A = vector.extract_strided_slice %reshape3A {offsets = [0, 0, 0], sizes = [1, 128, 64], strides = [1, 1, 1]} : vector<16x128x64xf32> to vector<1x128x64xf32>
    %squeeze3A_53 = vector.shape_cast %slice3A : vector<1x128x64xf32> to vector<128x64xf32>
    %dot_general3A_54 = arith.constant dense<0.000000e+00> : vector<128x64xf32>
    %dot_general3A_55 = tpu.matmul %convert_element_type3A_52, %squeeze3A_53, %dot_general3A_54 {dimension_numbers = #tpu.dot_dimension_numbers<[1], [0], [0], [1], [0, 0, 1, 1], [], []>, transpose_lhs_hint = false} : vector<128x128xf32>, vector<128x64xf32>, vector<128x64xf32> -> vector<128x64xf32>
    %mul3A_56 = arith.mulf %dot_general3A_55, %squeeze3A_53 : vector<128x64xf32>
    %reduce_sum3A_57 = arith.constant dense<0.000000e+00> : vector<128xf32>
    %reduce_sum3A_58 = vector.multi_reduction <add>, %mul3A_56, %reduce_sum3A_57 [1] : vector<128x64xf32> to vector<128xf32>
    %slice3A_59 = vector.extract_strided_slice %dot_general3A_30 {offsets = [0, 0], sizes = [1, 64], strides = [1, 1]} : vector<16x64xf32> to vector<1x64xf32>
    %squeeze3A_60 = vector.shape_cast %slice3A_59 : vector<1x64xf32> to vector<64xf32>
    %add3A_61 = arith.addf %squeeze3A, %squeeze3A_60 : vector<64xf32>
    %broadcast_in_dim3A_62 = vector.shape_cast %add3A_61 : vector<64xf32> to vector<1x64xf32>
    %mul3A_63 = vector.broadcast %broadcast_in_dim3A_62 : vector<1x64xf32> to vector<128x64xf32>
    %mul3A_64 = arith.mulf %squeeze3A_53, %mul3A_63 : vector<128x64xf32>
    %reduce_sum3A_65 = arith.constant dense<0.000000e+00> : vector<128xf32>
    %reduce_sum3A_66 = vector.multi_reduction <add>, %mul3A_64, %reduce_sum3A_65 [1] : vector<128x64xf32> to vector<128xf32>
    %add3A_67 = arith.addf %reduce_sum3A_58, %reduce_sum3A_66 : vector<128xf32>
    %convert_element_type3A_68 = arith.fptosi %add3A_67 : vector<128xf32> to vector<128xi32>
    %swap3A_69 = arith.constant 0 : index
    %swap3A_70 = vector.load %arg3[%swap3A_69] : memref<2048xi32, #tpu.memory_space<vmem>>, vector<128xi32>
    tpu.vector_store %arg3[%swap3A_69], %convert_element_type3A_68 {strides = array<i32>} : memref<2048xi32, #tpu.memory_space<vmem>>, vector<128xi32>,
    %slice3A_71 = vector.extract_strided_slice %reshape3A {offsets = [1, 0, 0], sizes = [1, 128, 64], strides = [1, 1, 1]} : vector<16x128x64xf32> to vector<1x128x64xf32>
    %squeeze3A_72 = vector.shape_cast %slice3A_71 : vector<1x128x64xf32> to vector<128x64xf32>
    %dot_general3A_73 = arith.constant dense<0.000000e+00> : vector<128x64xf32>
    %dot_general3A_74 = tpu.matmul %convert_element_type3A_52, %squeeze3A_72, %dot_general3A_73 {dimension_numbers = #tpu.dot_dimension_numbers<[1], [0], [0], [1], [0, 0, 1, 1], [], []>, transpose_lhs_hint = false} : vector<128x128xf32>, vector<128x64xf32>, vector<128x64xf32> -> vector<128x64xf32>
    %mul3A_75 = arith.mulf %dot_general3A_74, %squeeze3A_72 : vector<128x64xf32>
    %reduce_sum3A_76 = arith.constant dense<0.000000e+00> : vector<128xf32>
    %reduce_sum3A_77 = vector.multi_reduction <add>, %mul3A_75, %reduce_sum3A_76 [1] : vector<128x64xf32> to vector<128xf32>
    %slice3A_78 = vector.extract_strided_slice %dot_general3A_30 {offsets = [1, 0], sizes = [1, 64], strides = [1, 1]} : vector<16x64xf32> to vector<1x64xf32>
    %squeeze3A_79 = vector.shape_cast %slice3A_78 : vector<1x64xf32> to vector<64xf32>
    %add3A_80 = arith.addf %squeeze3A, %squeeze3A_79 : vector<64xf32>
    %broadcast_in_dim3A_81 = vector.shape_cast %add3A_80 : vector<64xf32> to vector<1x64xf32>
    %mul3A_82 = vector.broadcast %broadcast_in_dim3A_81 : vector<1x64xf32> to vector<128x64xf32>
    %mul3A_83 = arith.mulf %squeeze3A_72, %mul3A_82 : vector<128x64xf32>
    %reduce_sum3A_84 = arith.constant dense<0.000000e+00> : vector<128xf32>
    %reduce_sum3A_85 = vector.multi_reduction <add>, %mul3A_83, %reduce_sum3A_84 [1] : vector<128x64xf32> to vector<128xf32>
    %add3A_86 = arith.addf %reduce_sum3A_77, %reduce_sum3A_85 : vector<128xf32>
    %convert_element_type3A_87 = arith.fptosi %add3A_86 : vector<128xf32> to vector<128xi32>
    %swap3A_88 = arith.constant 128 : index
    %swap3A_89 = vector.load %arg3[%swap3A_88] : memref<2048xi32, #tpu.memory_space<vmem>>, vector<128xi32>
    tpu.vector_store %arg3[%swap3A_88], %convert_element_type3A_87 {strides = array<i32>} : memref<2048xi32, #tpu.memory_space<vmem>>, vector<128xi32>,
    %slice3A_90 = vector.extract_strided_slice %reshape3A {offsets = [2, 0, 0], sizes = [1, 128, 64], strides = [1, 1, 1]} : vector<16x128x64xf32> to vector<1x128x64xf32>
    %squeeze3A_91 = vector.shape_cast %slice3A_90 : vector<1x128x64xf32> to vector<128x64xf32>
    %dot_general3A_92 = arith.constant dense<0.000000e+00> : vector<128x64xf32>
    %dot_general3A_93 = tpu.matmul %convert_element_type3A_52, %squeeze3A_91, %dot_general3A_92 {dimension_numbers = #tpu.dot_dimension_numbers<[1], [0], [0], [1], [0, 0, 1, 1], [], []>, transpose_lhs_hint = false} : vector<128x128xf32>, vector<128x64xf32>, vector<128x64xf32> -> vector<128x64xf32>
    %mul3A_94 = arith.mulf %dot_general3A_93, %squeeze3A_91 : vector<128x64xf32>
    %reduce_sum3A_95 = arith.constant dense<0.000000e+00> : vector<128xf32>
    %reduce_sum3A_96 = vector.multi_reduction <add>, %mul3A_94, %reduce_sum3A_95 [1] : vector<128x64xf32> to vector<128xf32>
    %slice3A_97 = vector.extract_strided_slice %dot_general3A_30 {offsets = [2, 0], sizes = [1, 64], strides = [1, 1]} : vector<16x64xf32> to vector<1x64xf32>
    %squeeze3A_98 = vector.shape_cast %slice3A_97 : vector<1x64xf32> to vector<64xf32>
    %add3A_99 = arith.addf %squeeze3A, %squeeze3A_98 : vector<64xf32>
    %broadcast_in_dim3A_100 = vector.shape_cast %add3A_99 : vector<64xf32> to vector<1x64xf32>
    %mul3A_101 = vector.broadcast %broadcast_in_dim3A_100 : vector<1x64xf32> to vector<128x64xf32>
    %mul3A_102 = arith.mulf %squeeze3A_91, %mul3A_101 : vector<128x64xf32>
    %reduce_sum3A_103 = arith.constant dense<0.000000e+00> : vector<128xf32>
    %reduce_sum3A_104 = vector.multi_reduction <add>, %mul3A_102, %reduce_sum3A_103 [1] : vector<128x64xf32> to vector<128xf32>
    %add3A_105 = arith.addf %reduce_sum3A_96, %reduce_sum3A_104 : vector<128xf32>
    %convert_element_type3A_106 = arith.fptosi %add3A_105 : vector<128xf32> to vector<128xi32>
    %swap3A_107 = arith.constant 256 : index
    %swap3A_108 = vector.load %arg3[%swap3A_107] : memref<2048xi32, #tpu.memory_space<vmem>>, vector<128xi32>
    tpu.vector_store %arg3[%swap3A_107], %convert_element_type3A_106 {strides = array<i32>} : memref<2048xi32, #tpu.memory_space<vmem>>, vector<128xi32>,
    %slice3A_109 = vector.extract_strided_slice %reshape3A {offsets = [3, 0, 0], sizes = [1, 128, 64], strides = [1, 1, 1]} : vector<16x128x64xf32> to vector<1x128x64xf32>
    %squeeze3A_110 = vector.shape_cast %slice3A_109 : vector<1x128x64xf32> to vector<128x64xf32>
    %dot_general3A_111 = arith.constant dense<0.000000e+00> : vector<128x64xf32>
    %dot_general3A_112 = tpu.matmul %convert_element_type3A_52, %squeeze3A_110, %dot_general3A_111 {dimension_numbers = #tpu.dot_dimension_numbers<[1], [0], [0], [1], [0, 0, 1, 1], [], []>, transpose_lhs_hint = false} : vector<128x128xf32>, vector<128x64xf32>, vector<128x64xf32> -> vector<128x64xf32>
    %mul3A_113 = arith.mulf %dot_general3A_112, %squeeze3A_110 : vector<128x64xf32>
    %reduce_sum3A_114 = arith.constant dense<0.000000e+00> : vector<128xf32>
    %reduce_sum3A_115 = vector.multi_reduction <add>, %mul3A_113, %reduce_sum3A_114 [1] : vector<128x64xf32> to vector<128xf32>
    %slice3A_116 = vector.extract_strided_slice %dot_general3A_30 {offsets = [3, 0], sizes = [1, 64], strides = [1, 1]} : vector<16x64xf32> to vector<1x64xf32>
    %squeeze3A_117 = vector.shape_cast %slice3A_116 : vector<1x64xf32> to vector<64xf32>
    %add3A_118 = arith.addf %squeeze3A, %squeeze3A_117 : vector<64xf32>
    %broadcast_in_dim3A_119 = vector.shape_cast %add3A_118 : vector<64xf32> to vector<1x64xf32>
    %mul3A_120 = vector.broadcast %broadcast_in_dim3A_119 : vector<1x64xf32> to vector<128x64xf32>
    %mul3A_121 = arith.mulf %squeeze3A_110, %mul3A_120 : vector<128x64xf32>
    %reduce_sum3A_122 = arith.constant dense<0.000000e+00> : vector<128xf32>
    %reduce_sum3A_123 = vector.multi_reduction <add>, %mul3A_121, %reduce_sum3A_122 [1] : vector<128x64xf32> to vector<128xf32>
    %add3A_124 = arith.addf %reduce_sum3A_115, %reduce_sum3A_123 : vector<128xf32>
    %convert_element_type3A_125 = arith.fptosi %add3A_124 : vector<128xf32> to vector<128xi32>
    %swap3A_126 = arith.constant 384 : index
    %swap3A_127 = vector.load %arg3[%swap3A_126] : memref<2048xi32, #tpu.memory_space<vmem>>, vector<128xi32>
    tpu.vector_store %arg3[%swap3A_126], %convert_element_type3A_125 {strides = array<i32>} : memref<2048xi32, #tpu.memory_space<vmem>>, vector<128xi32>,
    %slice3A_128 = vector.extract_strided_slice %reshape3A {offsets = [4, 0, 0], sizes = [1, 128, 64], strides = [1, 1, 1]} : vector<16x128x64xf32> to vector<1x128x64xf32>
    %squeeze3A_129 = vector.shape_cast %slice3A_128 : vector<1x128x64xf32> to vector<128x64xf32>
    %dot_general3A_130 = arith.constant dense<0.000000e+00> : vector<128x64xf32>
    %dot_general3A_131 = tpu.matmul %convert_element_type3A_52, %squeeze3A_129, %dot_general3A_130 {dimension_numbers = #tpu.dot_dimension_numbers<[1], [0], [0], [1], [0, 0, 1, 1], [], []>, transpose_lhs_hint = false} : vector<128x128xf32>, vector<128x64xf32>, vector<128x64xf32> -> vector<128x64xf32>
    %mul3A_132 = arith.mulf %dot_general3A_131, %squeeze3A_129 : vector<128x64xf32>
    %reduce_sum3A_133 = arith.constant dense<0.000000e+00> : vector<128xf32>
    %reduce_sum3A_134 = vector.multi_reduction <add>, %mul3A_132, %reduce_sum3A_133 [1] : vector<128x64xf32> to vector<128xf32>
    %slice3A_135 = vector.extract_strided_slice %dot_general3A_30 {offsets = [4, 0], sizes = [1, 64], strides = [1, 1]} : vector<16x64xf32> to vector<1x64xf32>
    %squeeze3A_136 = vector.shape_cast %slice3A_135 : vector<1x64xf32> to vector<64xf32>
    %add3A_137 = arith.addf %squeeze3A, %squeeze3A_136 : vector<64xf32>
    %broadcast_in_dim3A_138 = vector.shape_cast %add3A_137 : vector<64xf32> to vector<1x64xf32>
    %mul3A_139 = vector.broadcast %broadcast_in_dim3A_138 : vector<1x64xf32> to vector<128x64xf32>
    %mul3A_140 = arith.mulf %squeeze3A_129, %mul3A_139 : vector<128x64xf32>
    %reduce_sum3A_141 = arith.constant dense<0.000000e+00> : vector<128xf32>
    %reduce_sum3A_142 = vector.multi_reduction <add>, %mul3A_140, %reduce_sum3A_141 [1] : vector<128x64xf32> to vector<128xf32>
    %add3A_143 = arith.addf %reduce_sum3A_134, %reduce_sum3A_142 : vector<128xf32>
    %convert_element_type3A_144 = arith.fptosi %add3A_143 : vector<128xf32> to vector<128xi32>
    %swap3A_145 = arith.constant 512 : index
    %swap3A_146 = vector.load %arg3[%swap3A_145] : memref<2048xi32, #tpu.memory_space<vmem>>, vector<128xi32>
    tpu.vector_store %arg3[%swap3A_145], %convert_element_type3A_144 {strides = array<i32>} : memref<2048xi32, #tpu.memory_space<vmem>>, vector<128xi32>,
    %slice3A_147 = vector.extract_strided_slice %reshape3A {offsets = [5, 0, 0], sizes = [1, 128, 64], strides = [1, 1, 1]} : vector<16x128x64xf32> to vector<1x128x64xf32>
    %squeeze3A_148 = vector.shape_cast %slice3A_147 : vector<1x128x64xf32> to vector<128x64xf32>
    %dot_general3A_149 = arith.constant dense<0.000000e+00> : vector<128x64xf32>
    %dot_general3A_150 = tpu.matmul %convert_element_type3A_52, %squeeze3A_148, %dot_general3A_149 {dimension_numbers = #tpu.dot_dimension_numbers<[1], [0], [0], [1], [0, 0, 1, 1], [], []>, transpose_lhs_hint = false} : vector<128x128xf32>, vector<128x64xf32>, vector<128x64xf32> -> vector<128x64xf32>
    %mul3A_151 = arith.mulf %dot_general3A_150, %squeeze3A_148 : vector<128x64xf32>
    %reduce_sum3A_152 = arith.constant dense<0.000000e+00> : vector<128xf32>
    %reduce_sum3A_153 = vector.multi_reduction <add>, %mul3A_151, %reduce_sum3A_152 [1] : vector<128x64xf32> to vector<128xf32>
    %slice3A_154 = vector.extract_strided_slice %dot_general3A_30 {offsets = [5, 0], sizes = [1, 64], strides = [1, 1]} : vector<16x64xf32> to vector<1x64xf32>
    %squeeze3A_155 = vector.shape_cast %slice3A_154 : vector<1x64xf32> to vector<64xf32>
    %add3A_156 = arith.addf %squeeze3A, %squeeze3A_155 : vector<64xf32>
    %broadcast_in_dim3A_157 = vector.shape_cast %add3A_156 : vector<64xf32> to vector<1x64xf32>
    %mul3A_158 = vector.broadcast %broadcast_in_dim3A_157 : vector<1x64xf32> to vector<128x64xf32>
    %mul3A_159 = arith.mulf %squeeze3A_148, %mul3A_158 : vector<128x64xf32>
    %reduce_sum3A_160 = arith.constant dense<0.000000e+00> : vector<128xf32>
    %reduce_sum3A_161 = vector.multi_reduction <add>, %mul3A_159, %reduce_sum3A_160 [1] : vector<128x64xf32> to vector<128xf32>
    %add3A_162 = arith.addf %reduce_sum3A_153, %reduce_sum3A_161 : vector<128xf32>
    %convert_element_type3A_163 = arith.fptosi %add3A_162 : vector<128xf32> to vector<128xi32>
    %swap3A_164 = arith.constant 640 : index
    %swap3A_165 = vector.load %arg3[%swap3A_164] : memref<2048xi32, #tpu.memory_space<vmem>>, vector<128xi32>
    tpu.vector_store %arg3[%swap3A_164], %convert_element_type3A_163 {strides = array<i32>} : memref<2048xi32, #tpu.memory_space<vmem>>, vector<128xi32>,
    %slice3A_166 = vector.extract_strided_slice %reshape3A {offsets = [6, 0, 0], sizes = [1, 128, 64], strides = [1, 1, 1]} : vector<16x128x64xf32> to vector<1x128x64xf32>
    %squeeze3A_167 = vector.shape_cast %slice3A_166 : vector<1x128x64xf32> to vector<128x64xf32>
    %dot_general3A_168 = arith.constant dense<0.000000e+00> : vector<128x64xf32>
    %dot_general3A_169 = tpu.matmul %convert_element_type3A_52, %squeeze3A_167, %dot_general3A_168 {dimension_numbers = #tpu.dot_dimension_numbers<[1], [0], [0], [1], [0, 0, 1, 1], [], []>, transpose_lhs_hint = false} : vector<128x128xf32>, vector<128x64xf32>, vector<128x64xf32> -> vector<128x64xf32>
    %mul3A_170 = arith.mulf %dot_general3A_169, %squeeze3A_167 : vector<128x64xf32>
    %reduce_sum3A_171 = arith.constant dense<0.000000e+00> : vector<128xf32>
    %reduce_sum3A_172 = vector.multi_reduction <add>, %mul3A_170, %reduce_sum3A_171 [1] : vector<128x64xf32> to vector<128xf32>
    %slice3A_173 = vector.extract_strided_slice %dot_general3A_30 {offsets = [6, 0], sizes = [1, 64], strides = [1, 1]} : vector<16x64xf32> to vector<1x64xf32>
    %squeeze3A_174 = vector.shape_cast %slice3A_173 : vector<1x64xf32> to vector<64xf32>
    %add3A_175 = arith.addf %squeeze3A, %squeeze3A_174 : vector<64xf32>
    %broadcast_in_dim3A_176 = vector.shape_cast %add3A_175 : vector<64xf32> to vector<1x64xf32>
    %mul3A_177 = vector.broadcast %broadcast_in_dim3A_176 : vector<1x64xf32> to vector<128x64xf32>
    %mul3A_178 = arith.mulf %squeeze3A_167, %mul3A_177 : vector<128x64xf32>
    %reduce_sum3A_179 = arith.constant dense<0.000000e+00> : vector<128xf32>
    %reduce_sum3A_180 = vector.multi_reduction <add>, %mul3A_178, %reduce_sum3A_179 [1] : vector<128x64xf32> to vector<128xf32>
    %add3A_181 = arith.addf %reduce_sum3A_172, %reduce_sum3A_180 : vector<128xf32>
    %convert_element_type3A_182 = arith.fptosi %add3A_181 : vector<128xf32> to vector<128xi32>
    %swap3A_183 = arith.constant 768 : index
    %swap3A_184 = vector.load %arg3[%swap3A_183] : memref<2048xi32, #tpu.memory_space<vmem>>, vector<128xi32>
    tpu.vector_store %arg3[%swap3A_183], %convert_element_type3A_182 {strides = array<i32>} : memref<2048xi32, #tpu.memory_space<vmem>>, vector<128xi32>,
    %slice3A_185 = vector.extract_strided_slice %reshape3A {offsets = [7, 0, 0], sizes = [1, 128, 64], strides = [1, 1, 1]} : vector<16x128x64xf32> to vector<1x128x64xf32>
    %squeeze3A_186 = vector.shape_cast %slice3A_185 : vector<1x128x64xf32> to vector<128x64xf32>
    %dot_general3A_187 = arith.constant dense<0.000000e+00> : vector<128x64xf32>
    %dot_general3A_188 = tpu.matmul %convert_element_type3A_52, %squeeze3A_186, %dot_general3A_187 {dimension_numbers = #tpu.dot_dimension_numbers<[1], [0], [0], [1], [0, 0, 1, 1], [], []>, transpose_lhs_hint = false} : vector<128x128xf32>, vector<128x64xf32>, vector<128x64xf32> -> vector<128x64xf32>
    %mul3A_189 = arith.mulf %dot_general3A_188, %squeeze3A_186 : vector<128x64xf32>
    %reduce_sum3A_190 = arith.constant dense<0.000000e+00> : vector<128xf32>
    %reduce_sum3A_191 = vector.multi_reduction <add>, %mul3A_189, %reduce_sum3A_190 [1] : vector<128x64xf32> to vector<128xf32>
    %slice3A_192 = vector.extract_strided_slice %dot_general3A_30 {offsets = [7, 0], sizes = [1, 64], strides = [1, 1]} : vector<16x64xf32> to vector<1x64xf32>
    %squeeze3A_193 = vector.shape_cast %slice3A_192 : vector<1x64xf32> to vector<64xf32>
    %add3A_194 = arith.addf %squeeze3A, %squeeze3A_193 : vector<64xf32>
    %broadcast_in_dim3A_195 = vector.shape_cast %add3A_194 : vector<64xf32> to vector<1x64xf32>
    %mul3A_196 = vector.broadcast %broadcast_in_dim3A_195 : vector<1x64xf32> to vector<128x64xf32>
    %mul3A_197 = arith.mulf %squeeze3A_186, %mul3A_196 : vector<128x64xf32>
    %reduce_sum3A_198 = arith.constant dense<0.000000e+00> : vector<128xf32>
    %reduce_sum3A_199 = vector.multi_reduction <add>, %mul3A_197, %reduce_sum3A_198 [1] : vector<128x64xf32> to vector<128xf32>
    %add3A_200 = arith.addf %reduce_sum3A_191, %reduce_sum3A_199 : vector<128xf32>
    %convert_element_type3A_201 = arith.fptosi %add3A_200 : vector<128xf32> to vector<128xi32>
    %swap3A_202 = arith.constant 896 : index
    %swap3A_203 = vector.load %arg3[%swap3A_202] : memref<2048xi32, #tpu.memory_space<vmem>>, vector<128xi32>
    tpu.vector_store %arg3[%swap3A_202], %convert_element_type3A_201 {strides = array<i32>} : memref<2048xi32, #tpu.memory_space<vmem>>, vector<128xi32>,
    %slice3A_204 = vector.extract_strided_slice %reshape3A {offsets = [8, 0, 0], sizes = [1, 128, 64], strides = [1, 1, 1]} : vector<16x128x64xf32> to vector<1x128x64xf32>
    %squeeze3A_205 = vector.shape_cast %slice3A_204 : vector<1x128x64xf32> to vector<128x64xf32>
    %dot_general3A_206 = arith.constant dense<0.000000e+00> : vector<128x64xf32>
    %dot_general3A_207 = tpu.matmul %convert_element_type3A_52, %squeeze3A_205, %dot_general3A_206 {dimension_numbers = #tpu.dot_dimension_numbers<[1], [0], [0], [1], [0, 0, 1, 1], [], []>, transpose_lhs_hint = false} : vector<128x128xf32>, vector<128x64xf32>, vector<128x64xf32> -> vector<128x64xf32>
    %mul3A_208 = arith.mulf %dot_general3A_207, %squeeze3A_205 : vector<128x64xf32>
    %reduce_sum3A_209 = arith.constant dense<0.000000e+00> : vector<128xf32>
    %reduce_sum3A_210 = vector.multi_reduction <add>, %mul3A_208, %reduce_sum3A_209 [1] : vector<128x64xf32> to vector<128xf32>
    %slice3A_211 = vector.extract_strided_slice %dot_general3A_30 {offsets = [8, 0], sizes = [1, 64], strides = [1, 1]} : vector<16x64xf32> to vector<1x64xf32>
    %squeeze3A_212 = vector.shape_cast %slice3A_211 : vector<1x64xf32> to vector<64xf32>
    %add3A_213 = arith.addf %squeeze3A, %squeeze3A_212 : vector<64xf32>
    %broadcast_in_dim3A_214 = vector.shape_cast %add3A_213 : vector<64xf32> to vector<1x64xf32>
    %mul3A_215 = vector.broadcast %broadcast_in_dim3A_214 : vector<1x64xf32> to vector<128x64xf32>
    %mul3A_216 = arith.mulf %squeeze3A_205, %mul3A_215 : vector<128x64xf32>
    %reduce_sum3A_217 = arith.constant dense<0.000000e+00> : vector<128xf32>
    %reduce_sum3A_218 = vector.multi_reduction <add>, %mul3A_216, %reduce_sum3A_217 [1] : vector<128x64xf32> to vector<128xf32>
    %add3A_219 = arith.addf %reduce_sum3A_210, %reduce_sum3A_218 : vector<128xf32>
    %convert_element_type3A_220 = arith.fptosi %add3A_219 : vector<128xf32> to vector<128xi32>
    %swap3A_221 = arith.constant 1024 : index
    %swap3A_222 = vector.load %arg3[%swap3A_221] : memref<2048xi32, #tpu.memory_space<vmem>>, vector<128xi32>
    tpu.vector_store %arg3[%swap3A_221], %convert_element_type3A_220 {strides = array<i32>} : memref<2048xi32, #tpu.memory_space<vmem>>, vector<128xi32>,
    %slice3A_223 = vector.extract_strided_slice %reshape3A {offsets = [9, 0, 0], sizes = [1, 128, 64], strides = [1, 1, 1]} : vector<16x128x64xf32> to vector<1x128x64xf32>
    %squeeze3A_224 = vector.shape_cast %slice3A_223 : vector<1x128x64xf32> to vector<128x64xf32>
    %dot_general3A_225 = arith.constant dense<0.000000e+00> : vector<128x64xf32>
    %dot_general3A_226 = tpu.matmul %convert_element_type3A_52, %squeeze3A_224, %dot_general3A_225 {dimension_numbers = #tpu.dot_dimension_numbers<[1], [0], [0], [1], [0, 0, 1, 1], [], []>, transpose_lhs_hint = false} : vector<128x128xf32>, vector<128x64xf32>, vector<128x64xf32> -> vector<128x64xf32>
    %mul3A_227 = arith.mulf %dot_general3A_226, %squeeze3A_224 : vector<128x64xf32>
    %reduce_sum3A_228 = arith.constant dense<0.000000e+00> : vector<128xf32>
    %reduce_sum3A_229 = vector.multi_reduction <add>, %mul3A_227, %reduce_sum3A_228 [1] : vector<128x64xf32> to vector<128xf32>
    %slice3A_230 = vector.extract_strided_slice %dot_general3A_30 {offsets = [9, 0], sizes = [1, 64], strides = [1, 1]} : vector<16x64xf32> to vector<1x64xf32>
    %squeeze3A_231 = vector.shape_cast %slice3A_230 : vector<1x64xf32> to vector<64xf32>
    %add3A_232 = arith.addf %squeeze3A, %squeeze3A_231 : vector<64xf32>
    %broadcast_in_dim3A_233 = vector.shape_cast %add3A_232 : vector<64xf32> to vector<1x64xf32>
    %mul3A_234 = vector.broadcast %broadcast_in_dim3A_233 : vector<1x64xf32> to vector<128x64xf32>
    %mul3A_235 = arith.mulf %squeeze3A_224, %mul3A_234 : vector<128x64xf32>
    %reduce_sum3A_236 = arith.constant dense<0.000000e+00> : vector<128xf32>
    %reduce_sum3A_237 = vector.multi_reduction <add>, %mul3A_235, %reduce_sum3A_236 [1] : vector<128x64xf32> to vector<128xf32>
    %add3A_238 = arith.addf %reduce_sum3A_229, %reduce_sum3A_237 : vector<128xf32>
    %convert_element_type3A_239 = arith.fptosi %add3A_238 : vector<128xf32> to vector<128xi32>
    %swap3A_240 = arith.constant 1152 : index
    %swap3A_241 = vector.load %arg3[%swap3A_240] : memref<2048xi32, #tpu.memory_space<vmem>>, vector<128xi32>
    tpu.vector_store %arg3[%swap3A_240], %convert_element_type3A_239 {strides = array<i32>} : memref<2048xi32, #tpu.memory_space<vmem>>, vector<128xi32>,
    %slice3A_242 = vector.extract_strided_slice %reshape3A {offsets = [10, 0, 0], sizes = [1, 128, 64], strides = [1, 1, 1]} : vector<16x128x64xf32> to vector<1x128x64xf32>
    %squeeze3A_243 = vector.shape_cast %slice3A_242 : vector<1x128x64xf32> to vector<128x64xf32>
    %dot_general3A_244 = arith.constant dense<0.000000e+00> : vector<128x64xf32>
    %dot_general3A_245 = tpu.matmul %convert_element_type3A_52, %squeeze3A_243, %dot_general3A_244 {dimension_numbers = #tpu.dot_dimension_numbers<[1], [0], [0], [1], [0, 0, 1, 1], [], []>, transpose_lhs_hint = false} : vector<128x128xf32>, vector<128x64xf32>, vector<128x64xf32> -> vector<128x64xf32>
    %mul3A_246 = arith.mulf %dot_general3A_245, %squeeze3A_243 : vector<128x64xf32>
    %reduce_sum3A_247 = arith.constant dense<0.000000e+00> : vector<128xf32>
    %reduce_sum3A_248 = vector.multi_reduction <add>, %mul3A_246, %reduce_sum3A_247 [1] : vector<128x64xf32> to vector<128xf32>
    %slice3A_249 = vector.extract_strided_slice %dot_general3A_30 {offsets = [10, 0], sizes = [1, 64], strides = [1, 1]} : vector<16x64xf32> to vector<1x64xf32>
    %squeeze3A_250 = vector.shape_cast %slice3A_249 : vector<1x64xf32> to vector<64xf32>
    %add3A_251 = arith.addf %squeeze3A, %squeeze3A_250 : vector<64xf32>
    %broadcast_in_dim3A_252 = vector.shape_cast %add3A_251 : vector<64xf32> to vector<1x64xf32>
    %mul3A_253 = vector.broadcast %broadcast_in_dim3A_252 : vector<1x64xf32> to vector<128x64xf32>
    %mul3A_254 = arith.mulf %squeeze3A_243, %mul3A_253 : vector<128x64xf32>
    %reduce_sum3A_255 = arith.constant dense<0.000000e+00> : vector<128xf32>
    %reduce_sum3A_256 = vector.multi_reduction <add>, %mul3A_254, %reduce_sum3A_255 [1] : vector<128x64xf32> to vector<128xf32>
    %add3A_257 = arith.addf %reduce_sum3A_248, %reduce_sum3A_256 : vector<128xf32>
    %convert_element_type3A_258 = arith.fptosi %add3A_257 : vector<128xf32> to vector<128xi32>
    %swap3A_259 = arith.constant 1280 : index
    %swap3A_260 = vector.load %arg3[%swap3A_259] : memref<2048xi32, #tpu.memory_space<vmem>>, vector<128xi32>
    tpu.vector_store %arg3[%swap3A_259], %convert_element_type3A_258 {strides = array<i32>} : memref<2048xi32, #tpu.memory_space<vmem>>, vector<128xi32>,
    %slice3A_261 = vector.extract_strided_slice %reshape3A {offsets = [11, 0, 0], sizes = [1, 128, 64], strides = [1, 1, 1]} : vector<16x128x64xf32> to vector<1x128x64xf32>
    %squeeze3A_262 = vector.shape_cast %slice3A_261 : vector<1x128x64xf32> to vector<128x64xf32>
    %dot_general3A_263 = arith.constant dense<0.000000e+00> : vector<128x64xf32>
    %dot_general3A_264 = tpu.matmul %convert_element_type3A_52, %squeeze3A_262, %dot_general3A_263 {dimension_numbers = #tpu.dot_dimension_numbers<[1], [0], [0], [1], [0, 0, 1, 1], [], []>, transpose_lhs_hint = false} : vector<128x128xf32>, vector<128x64xf32>, vector<128x64xf32> -> vector<128x64xf32>
    %mul3A_265 = arith.mulf %dot_general3A_264, %squeeze3A_262 : vector<128x64xf32>
    %reduce_sum3A_266 = arith.constant dense<0.000000e+00> : vector<128xf32>
    %reduce_sum3A_267 = vector.multi_reduction <add>, %mul3A_265, %reduce_sum3A_266 [1] : vector<128x64xf32> to vector<128xf32>
    %slice3A_268 = vector.extract_strided_slice %dot_general3A_30 {offsets = [11, 0], sizes = [1, 64], strides = [1, 1]} : vector<16x64xf32> to vector<1x64xf32>
    %squeeze3A_269 = vector.shape_cast %slice3A_268 : vector<1x64xf32> to vector<64xf32>
    %add3A_270 = arith.addf %squeeze3A, %squeeze3A_269 : vector<64xf32>
    %broadcast_in_dim3A_271 = vector.shape_cast %add3A_270 : vector<64xf32> to vector<1x64xf32>
    %mul3A_272 = vector.broadcast %broadcast_in_dim3A_271 : vector<1x64xf32> to vector<128x64xf32>
    %mul3A_273 = arith.mulf %squeeze3A_262, %mul3A_272 : vector<128x64xf32>
    %reduce_sum3A_274 = arith.constant dense<0.000000e+00> : vector<128xf32>
    %reduce_sum3A_275 = vector.multi_reduction <add>, %mul3A_273, %reduce_sum3A_274 [1] : vector<128x64xf32> to vector<128xf32>
    %add3A_276 = arith.addf %reduce_sum3A_267, %reduce_sum3A_275 : vector<128xf32>
    %convert_element_type3A_277 = arith.fptosi %add3A_276 : vector<128xf32> to vector<128xi32>
    %swap3A_278 = arith.constant 1408 : index
    %swap3A_279 = vector.load %arg3[%swap3A_278] : memref<2048xi32, #tpu.memory_space<vmem>>, vector<128xi32>
    tpu.vector_store %arg3[%swap3A_278], %convert_element_type3A_277 {strides = array<i32>} : memref<2048xi32, #tpu.memory_space<vmem>>, vector<128xi32>,
    %slice3A_280 = vector.extract_strided_slice %reshape3A {offsets = [12, 0, 0], sizes = [1, 128, 64], strides = [1, 1, 1]} : vector<16x128x64xf32> to vector<1x128x64xf32>
    %squeeze3A_281 = vector.shape_cast %slice3A_280 : vector<1x128x64xf32> to vector<128x64xf32>
    %dot_general3A_282 = arith.constant dense<0.000000e+00> : vector<128x64xf32>
    %dot_general3A_283 = tpu.matmul %convert_element_type3A_52, %squeeze3A_281, %dot_general3A_282 {dimension_numbers = #tpu.dot_dimension_numbers<[1], [0], [0], [1], [0, 0, 1, 1], [], []>, transpose_lhs_hint = false} : vector<128x128xf32>, vector<128x64xf32>, vector<128x64xf32> -> vector<128x64xf32>
    %mul3A_284 = arith.mulf %dot_general3A_283, %squeeze3A_281 : vector<128x64xf32>
    %reduce_sum3A_285 = arith.constant dense<0.000000e+00> : vector<128xf32>
    %reduce_sum3A_286 = vector.multi_reduction <add>, %mul3A_284, %reduce_sum3A_285 [1] : vector<128x64xf32> to vector<128xf32>
    %slice3A_287 = vector.extract_strided_slice %dot_general3A_30 {offsets = [12, 0], sizes = [1, 64], strides = [1, 1]} : vector<16x64xf32> to vector<1x64xf32>
    %squeeze3A_288 = vector.shape_cast %slice3A_287 : vector<1x64xf32> to vector<64xf32>
    %add3A_289 = arith.addf %squeeze3A, %squeeze3A_288 : vector<64xf32>
    %broadcast_in_dim3A_290 = vector.shape_cast %add3A_289 : vector<64xf32> to vector<1x64xf32>
    %mul3A_291 = vector.broadcast %broadcast_in_dim3A_290 : vector<1x64xf32> to vector<128x64xf32>
    %mul3A_292 = arith.mulf %squeeze3A_281, %mul3A_291 : vector<128x64xf32>
    %reduce_sum3A_293 = arith.constant dense<0.000000e+00> : vector<128xf32>
    %reduce_sum3A_294 = vector.multi_reduction <add>, %mul3A_292, %reduce_sum3A_293 [1] : vector<128x64xf32> to vector<128xf32>
    %add3A_295 = arith.addf %reduce_sum3A_286, %reduce_sum3A_294 : vector<128xf32>
    %convert_element_type3A_296 = arith.fptosi %add3A_295 : vector<128xf32> to vector<128xi32>
    %swap3A_297 = arith.constant 1536 : index
    %swap3A_298 = vector.load %arg3[%swap3A_297] : memref<2048xi32, #tpu.memory_space<vmem>>, vector<128xi32>
    tpu.vector_store %arg3[%swap3A_297], %convert_element_type3A_296 {strides = array<i32>} : memref<2048xi32, #tpu.memory_space<vmem>>, vector<128xi32>,
    %slice3A_299 = vector.extract_strided_slice %reshape3A {offsets = [13, 0, 0], sizes = [1, 128, 64], strides = [1, 1, 1]} : vector<16x128x64xf32> to vector<1x128x64xf32>
    %squeeze3A_300 = vector.shape_cast %slice3A_299 : vector<1x128x64xf32> to vector<128x64xf32>
    %dot_general3A_301 = arith.constant dense<0.000000e+00> : vector<128x64xf32>
    %dot_general3A_302 = tpu.matmul %convert_element_type3A_52, %squeeze3A_300, %dot_general3A_301 {dimension_numbers = #tpu.dot_dimension_numbers<[1], [0], [0], [1], [0, 0, 1, 1], [], []>, transpose_lhs_hint = false} : vector<128x128xf32>, vector<128x64xf32>, vector<128x64xf32> -> vector<128x64xf32>
    %mul3A_303 = arith.mulf %dot_general3A_302, %squeeze3A_300 : vector<128x64xf32>
    %reduce_sum3A_304 = arith.constant dense<0.000000e+00> : vector<128xf32>
    %reduce_sum3A_305 = vector.multi_reduction <add>, %mul3A_303, %reduce_sum3A_304 [1] : vector<128x64xf32> to vector<128xf32>
    %slice3A_306 = vector.extract_strided_slice %dot_general3A_30 {offsets = [13, 0], sizes = [1, 64], strides = [1, 1]} : vector<16x64xf32> to vector<1x64xf32>
    %squeeze3A_307 = vector.shape_cast %slice3A_306 : vector<1x64xf32> to vector<64xf32>
    %add3A_308 = arith.addf %squeeze3A, %squeeze3A_307 : vector<64xf32>
    %broadcast_in_dim3A_309 = vector.shape_cast %add3A_308 : vector<64xf32> to vector<1x64xf32>
    %mul3A_310 = vector.broadcast %broadcast_in_dim3A_309 : vector<1x64xf32> to vector<128x64xf32>
    %mul3A_311 = arith.mulf %squeeze3A_300, %mul3A_310 : vector<128x64xf32>
    %reduce_sum3A_312 = arith.constant dense<0.000000e+00> : vector<128xf32>
    %reduce_sum3A_313 = vector.multi_reduction <add>, %mul3A_311, %reduce_sum3A_312 [1] : vector<128x64xf32> to vector<128xf32>
    %add3A_314 = arith.addf %reduce_sum3A_305, %reduce_sum3A_313 : vector<128xf32>
    %convert_element_type3A_315 = arith.fptosi %add3A_314 : vector<128xf32> to vector<128xi32>
    %swap3A_316 = arith.constant 1664 : index
    %swap3A_317 = vector.load %arg3[%swap3A_316] : memref<2048xi32, #tpu.memory_space<vmem>>, vector<128xi32>
    tpu.vector_store %arg3[%swap3A_316], %convert_element_type3A_315 {strides = array<i32>} : memref<2048xi32, #tpu.memory_space<vmem>>, vector<128xi32>,
    %slice3A_318 = vector.extract_strided_slice %reshape3A {offsets = [14, 0, 0], sizes = [1, 128, 64], strides = [1, 1, 1]} : vector<16x128x64xf32> to vector<1x128x64xf32>
    %squeeze3A_319 = vector.shape_cast %slice3A_318 : vector<1x128x64xf32> to vector<128x64xf32>
    %dot_general3A_320 = arith.constant dense<0.000000e+00> : vector<128x64xf32>
    %dot_general3A_321 = tpu.matmul %convert_element_type3A_52, %squeeze3A_319, %dot_general3A_320 {dimension_numbers = #tpu.dot_dimension_numbers<[1], [0], [0], [1], [0, 0, 1, 1], [], []>, transpose_lhs_hint = false} : vector<128x128xf32>, vector<128x64xf32>, vector<128x64xf32> -> vector<128x64xf32>
    %mul3A_322 = arith.mulf %dot_general3A_321, %squeeze3A_319 : vector<128x64xf32>
    %reduce_sum3A_323 = arith.constant dense<0.000000e+00> : vector<128xf32>
    %reduce_sum3A_324 = vector.multi_reduction <add>, %mul3A_322, %reduce_sum3A_323 [1] : vector<128x64xf32> to vector<128xf32>
    %slice3A_325 = vector.extract_strided_slice %dot_general3A_30 {offsets = [14, 0], sizes = [1, 64], strides = [1, 1]} : vector<16x64xf32> to vector<1x64xf32>
    %squeeze3A_326 = vector.shape_cast %slice3A_325 : vector<1x64xf32> to vector<64xf32>
    %add3A_327 = arith.addf %squeeze3A, %squeeze3A_326 : vector<64xf32>
    %broadcast_in_dim3A_328 = vector.shape_cast %add3A_327 : vector<64xf32> to vector<1x64xf32>
    %mul3A_329 = vector.broadcast %broadcast_in_dim3A_328 : vector<1x64xf32> to vector<128x64xf32>
    %mul3A_330 = arith.mulf %squeeze3A_319, %mul3A_329 : vector<128x64xf32>
    %reduce_sum3A_331 = arith.constant dense<0.000000e+00> : vector<128xf32>
    %reduce_sum3A_332 = vector.multi_reduction <add>, %mul3A_330, %reduce_sum3A_331 [1] : vector<128x64xf32> to vector<128xf32>
    %add3A_333 = arith.addf %reduce_sum3A_324, %reduce_sum3A_332 : vector<128xf32>
    %convert_element_type3A_334 = arith.fptosi %add3A_333 : vector<128xf32> to vector<128xi32>
    %swap3A_335 = arith.constant 1792 : index
    %swap3A_336 = vector.load %arg3[%swap3A_335] : memref<2048xi32, #tpu.memory_space<vmem>>, vector<128xi32>
    tpu.vector_store %arg3[%swap3A_335], %convert_element_type3A_334 {strides = array<i32>} : memref<2048xi32, #tpu.memory_space<vmem>>, vector<128xi32>,
    %slice3A_337 = vector.extract_strided_slice %reshape3A {offsets = [15, 0, 0], sizes = [1, 128, 64], strides = [1, 1, 1]} : vector<16x128x64xf32> to vector<1x128x64xf32>
    %squeeze3A_338 = vector.shape_cast %slice3A_337 : vector<1x128x64xf32> to vector<128x64xf32>
    %dot_general3A_339 = arith.constant dense<0.000000e+00> : vector<128x64xf32>
    %dot_general3A_340 = tpu.matmul %convert_element_type3A_52, %squeeze3A_338, %dot_general3A_339 {dimension_numbers = #tpu.dot_dimension_numbers<[1], [0], [0], [1], [0, 0, 1, 1], [], []>, transpose_lhs_hint = false} : vector<128x128xf32>, vector<128x64xf32>, vector<128x64xf32> -> vector<128x64xf32>
    %mul3A_341 = arith.mulf %dot_general3A_340, %squeeze3A_338 : vector<128x64xf32>
    %reduce_sum3A_342 = arith.constant dense<0.000000e+00> : vector<128xf32>
    %reduce_sum3A_343 = vector.multi_reduction <add>, %mul3A_341, %reduce_sum3A_342 [1] : vector<128x64xf32> to vector<128xf32>
    %slice3A_344 = vector.extract_strided_slice %dot_general3A_30 {offsets = [15, 0], sizes = [1, 64], strides = [1, 1]} : vector<16x64xf32> to vector<1x64xf32>
    %squeeze3A_345 = vector.shape_cast %slice3A_344 : vector<1x64xf32> to vector<64xf32>
    %add3A_346 = arith.addf %squeeze3A, %squeeze3A_345 : vector<64xf32>
    %broadcast_in_dim3A_347 = vector.shape_cast %add3A_346 : vector<64xf32> to vector<1x64xf32>
    %mul3A_348 = vector.broadcast %broadcast_in_dim3A_347 : vector<1x64xf32> to vector<128x64xf32>
    %mul3A_349 = arith.mulf %squeeze3A_338, %mul3A_348 : vector<128x64xf32>
    %reduce_sum3A_350 = arith.constant dense<0.000000e+00> : vector<128xf32>
    %reduce_sum3A_351 = vector.multi_reduction <add>, %mul3A_349, %reduce_sum3A_350 [1] : vector<128x64xf32> to vector<128xf32>
    %add3A_352 = arith.addf %reduce_sum3A_343, %reduce_sum3A_351 : vector<128xf32>
    %convert_element_type3A_353 = arith.fptosi %add3A_352 : vector<128xf32> to vector<128xi32>
    %swap3A_354 = arith.constant 1920 : index
    %swap3A_355 = vector.load %arg3[%swap3A_354] : memref<2048xi32, #tpu.memory_space<vmem>>, vector<128xi32>
    tpu.vector_store %arg3[%swap3A_354], %convert_element_type3A_353 {strides = array<i32>} : memref<2048xi32, #tpu.memory_space<vmem>>, vector<128xi32>,
    %add3A_356 = arith.constant 2.550000e+02 : f32
    %add3A_357 = vector.broadcast %add3A_356 : f32 to vector<64xf32>
    %add3A_358 = arith.addf %reduce_sum3A_32, %add3A_357 : vector<64xf32>
    %mul3A_359 = arith.constant 3.906250e-03 : f32
    %mul3A_360 = vector.broadcast %mul3A_359 : f32 to vector<64xf32>
    %mul3A_361 = arith.mulf %add3A_358, %mul3A_360 : vector<64xf32>
    %floor3A_362 = math.floor %mul3A_361 : vector<64xf32>
    %reshape3A_363 = vector.shape_cast %floor3A_362 : vector<64xf32> to vector<64x1xf32>
    %dot_general3A_364 = arith.constant dense<0.000000e+00> : vector<64x1xf32>
    %dot_general3A_365 = tpu.matmul %convert_element_type3A_44, %reshape3A_363, %dot_general3A_364 {dimension_numbers = #tpu.dot_dimension_numbers<[1], [0], [0], [1], [0, 0, 1, 1], [], []>, transpose_lhs_hint = false} : vector<64x64xf32>, vector<64x1xf32>, vector<64x1xf32> -> vector<64x1xf32>
    %squeeze3A_366 = vector.shape_cast %dot_general3A_365 : vector<64x1xf32> to vector<64xf32>
    %add3A_367 = arith.addf %squeeze3A_366, %floor3A_362 : vector<64xf32>
    %iota3A_368 = tpu.iota {dimensions = array<i32: 0>} : vector<72x64xi32>
    %convert_element_type3A_369 = arith.sitofp %iota3A_368 : vector<72x64xi32> to vector<72x64xf32>
    %broadcast_in_dim3A_370 = vector.shape_cast %add3A_367 : vector<64xf32> to vector<1x64xf32>
    %le3A_371 = vector.broadcast %broadcast_in_dim3A_370 : vector<1x64xf32> to vector<72x64xf32>
    %le3A_372 = arith.cmpf ole, %le3A_371, %convert_element_type3A_369 : vector<72x64xf32>
    %jit3A_373 = arith.constant 1.000000e+00 : f32
    %jit3A_374 = arith.constant 0.000000e+00 : f32
    %broadcast_in_dim3A_375 = vector.broadcast %jit3A_373 : f32 to vector<72x64xf32>
    %broadcast_in_dim3A_376 = vector.broadcast %jit3A_374 : f32 to vector<72x64xf32>
    %select_n3A_377 = arith.select %le3A_372, %broadcast_in_dim3A_375, %broadcast_in_dim3A_376 : vector<72x64xi1>, vector<72x64xf32>
    %reduce_sum3A_378 = arith.constant dense<0.000000e+00> : vector<72xf32>
    %reduce_sum3A_379 = vector.multi_reduction <add>, %select_n3A_377, %reduce_sum3A_378 [1] : vector<72x64xf32> to vector<72xf32>
    %min3A = arith.constant 6.300000e+01 : f32
    %min3A_380 = vector.broadcast %min3A : f32 to vector<72xf32>
    %min3A_381 = arith.minimumf %reduce_sum3A_379, %min3A_380 : vector<72xf32>
    %reduce_sum3A_382 = vector.shape_cast %floor3A_362 : vector<64xf32> to vector<1x64xf32>
    %reduce_sum3A_383 = arith.constant dense<0.000000e+00> : vector<1xf32>
    %reduce_sum3A_384 = vector.multi_reduction <add>, %reduce_sum3A_382, %reduce_sum3A_383 [1] : vector<1x64xf32> to vector<1xf32>
    %reduce_sum3A_385 = vector.shape_cast %reduce_sum3A_384 : vector<1xf32> to vector<1x1xf32>
    %reduce_sum3A_386 = vector.extract %reduce_sum3A_385[0, 0] : f32 from vector<1x1xf32>
    %iota3A_387 = tpu.iota {dimensions = array<i32: 0>} : vector<64x1xi32>
    %convert_element_type3A_388 = arith.sitofp %iota3A_387 : vector<64x1xi32> to vector<64x1xf32>
    %squeeze3A_389 = vector.shape_cast %convert_element_type3A_388 : vector<64x1xf32> to vector<64xf32>
    %gt3A_390 = arith.constant 0.000000e+00 : f32
    %gt3A_391 = vector.broadcast %gt3A_390 : f32 to vector<64xf32>
    %gt3A_392 = arith.cmpf ogt, %reduce_sum3A_32, %gt3A_391 : vector<64xf32>
    %jit3A_393 = arith.constant 0.000000e+00 : f32
    %broadcast_in_dim3A_394 = vector.broadcast %jit3A_393 : f32 to vector<64xf32>
    %select_n3A_395 = arith.select %gt3A_392, %squeeze3A_389, %broadcast_in_dim3A_394 : vector<64xi1>, vector<64xf32>
    %reduce_max3A_396 = vector.shape_cast %select_n3A_395 : vector<64xf32> to vector<1x64xf32>
    %reduce_max3A_397 = arith.constant dense<0xFF800000> : vector<1xf32>
    %reduce_max3A_398 = vector.multi_reduction <maximumf>, %reduce_max3A_396, %reduce_max3A_397 [1] : vector<1x64xf32> to vector<1xf32>
    %reduce_max3A_399 = vector.shape_cast %reduce_max3A_398 : vector<1xf32> to vector<1x1xf32>
    %reduce_max3A_400 = vector.extract %reduce_max3A_399[0, 0] : f32 from vector<1x1xf32>
    %iota3A_401 = tpu.iota {dimensions = array<i32: 0>} : vector<72x1xi32>
    %convert_element_type3A_402 = arith.sitofp %iota3A_401 : vector<72x1xi32> to vector<72x1xf32>
    %squeeze3A_403 = vector.shape_cast %convert_element_type3A_402 : vector<72x1xf32> to vector<72xf32>
    %lt3A_404 = vector.broadcast %reduce_sum3A_386 : f32 to vector<72xf32>
    %lt3A_405 = arith.cmpf olt, %squeeze3A_403, %lt3A_404 : vector<72xf32>
    %broadcast_in_dim3A_406 = vector.broadcast %reduce_max3A_400 : f32 to vector<72xf32>
    %select_n3A_407 = arith.select %lt3A_405, %min3A_381, %broadcast_in_dim3A_406 : vector<72xi1>, vector<72xf32>
    %iota3A_408 = tpu.iota {dimensions = array<i32: 1>} : vector<72x64xi32>
    %convert_element_type3A_409 = arith.sitofp %iota3A_408 : vector<72x64xi32> to vector<72x64xf32>
    %broadcast_in_dim3A_410 = vector.shape_cast %select_n3A_407 : vector<72xf32> to vector<72x1xf32>
    %eq3A_411 = vector.broadcast %broadcast_in_dim3A_410 : vector<72x1xf32> to vector<72x64xf32>
    %eq3A_412 = arith.cmpf oeq, %convert_element_type3A_409, %eq3A_411 : vector<72x64xf32>
    %jit3A_413 = arith.constant 1.000000e+00 : f32
    %jit3A_414 = arith.constant 0.000000e+00 : f32
    %broadcast_in_dim3A_415 = vector.broadcast %jit3A_413 : f32 to vector<72x64xf32>
    %broadcast_in_dim3A_416 = vector.broadcast %jit3A_414 : f32 to vector<72x64xf32>
    %select_n3A_417 = arith.select %eq3A_412, %broadcast_in_dim3A_415, %broadcast_in_dim3A_416 : vector<72x64xi1>, vector<72x64xf32>
    %broadcast_in_dim3A_418 = vector.shape_cast %squeeze3A : vector<64xf32> to vector<1x64xf32>
    %mul3A_419 = vector.broadcast %broadcast_in_dim3A_418 : vector<1x64xf32> to vector<72x64xf32>
    %mul3A_420 = arith.mulf %select_n3A_417, %mul3A_419 : vector<72x64xf32>
    %reduce_sum3A_421 = arith.constant dense<0.000000e+00> : vector<72xf32>
    %reduce_sum3A_422 = vector.multi_reduction <add>, %mul3A_420, %reduce_sum3A_421 [1] : vector<72x64xf32> to vector<72xf32>
    %broadcast_in_dim3A_423 = vector.shape_cast %squeeze3A_366 : vector<64xf32> to vector<1x64xf32>
    %mul3A_424 = vector.broadcast %broadcast_in_dim3A_423 : vector<1x64xf32> to vector<72x64xf32>
    %mul3A_425 = arith.mulf %select_n3A_417, %mul3A_424 : vector<72x64xf32>
    %reduce_sum3A_426 = arith.constant dense<0.000000e+00> : vector<72xf32>
    %reduce_sum3A_427 = vector.multi_reduction <add>, %mul3A_425, %reduce_sum3A_426 [1] : vector<72x64xf32> to vector<72xf32>
    %iota3A_428 = tpu.iota {dimensions = array<i32: 0>} : vector<72x1xi32>
    %convert_element_type3A_429 = arith.sitofp %iota3A_428 : vector<72x1xi32> to vector<72x1xf32>
    %squeeze3A_430 = vector.shape_cast %convert_element_type3A_429 : vector<72x1xf32> to vector<72xf32>
    %sub3A = arith.subf %squeeze3A_430, %reduce_sum3A_427 : vector<72xf32>
    %mul3A_431 = arith.constant 2.560000e+02 : f32
    %mul3A_432 = vector.broadcast %mul3A_431 : f32 to vector<72xf32>
    %mul3A_433 = arith.mulf %sub3A, %mul3A_432 : vector<72xf32>
    %add3A_434 = arith.addf %reduce_sum3A_422, %mul3A_433 : vector<72xf32>
    %jit3A_435 = arith.constant 0.000000e+00 : f32
    %jit3A_436 = arith.constant 2.560000e+03 : f32
    %max3A = vector.broadcast %jit3A_435 : f32 to vector<72xf32>
    %max3A_437 = arith.maximumf %max3A, %add3A_434 : vector<72xf32>
    %min3A_438 = vector.broadcast %jit3A_436 : f32 to vector<72xf32>
    %min3A_439 = arith.minimumf %min3A_438, %max3A_437 : vector<72xf32>
    %iota3A_440 = tpu.iota {dimensions = array<i32: 0>} : vector<8x72xi32>
    %eq3A_441 = arith.constant 0 : i32
    %eq3A_442 = vector.broadcast %eq3A_441 : i32 to vector<8x72xi32>
    %eq3A_443 = arith.cmpi eq, %iota3A_440, %eq3A_442 : vector<8x72xi32>
    %broadcast_in_dim3A_444 = vector.shape_cast %select_n3A_407 : vector<72xf32> to vector<1x72xf32>
    %eq3A_445 = arith.constant 1 : i32
    %eq3A_446 = vector.broadcast %eq3A_445 : i32 to vector<8x72xi32>
    %eq3A_447 = arith.cmpi eq, %iota3A_440, %eq3A_446 : vector<8x72xi32>
    %broadcast_in_dim3A_448 = vector.shape_cast %min3A_439 : vector<72xf32> to vector<1x72xf32>
    %broadcast_in_dim3A_449 = vector.shape_cast %broadcast_in_dim3A_448 : vector<1x72xf32> to vector<1x72xf32>
    %broadcast_in_dim3A_450 = vector.broadcast %broadcast_in_dim3A_449 : vector<1x72xf32> to vector<8x72xf32>
    %broadcast_in_dim3A_451 = vector.broadcast %reduce_sum3A_386 : f32 to vector<8x72xf32>
    %select_n3A_452 = arith.select %eq3A_447, %broadcast_in_dim3A_450, %broadcast_in_dim3A_451 : vector<8x72xi1>, vector<8x72xf32>
    %broadcast_in_dim3A_453 = vector.shape_cast %broadcast_in_dim3A_444 : vector<1x72xf32> to vector<1x72xf32>
    %broadcast_in_dim3A_454 = vector.broadcast %broadcast_in_dim3A_453 : vector<1x72xf32> to vector<8x72xf32>
    %select_n3A_455 = arith.select %eq3A_443, %broadcast_in_dim3A_454, %select_n3A_452 : vector<8x72xi1>, vector<8x72xf32>
    %convert_element_type3A_456 = arith.fptosi %select_n3A_455 : vector<8x72xf32> to vector<8x72xi32>
    %swap3A_457 = arith.constant 0 : index
    %swap3A_458 = arith.constant 0 : index
    %swap3A_459 = vector.load %arg4[%swap3A_457, %swap3A_458] : memref<8x72xi32, #tpu.memory_space<vmem>>, vector<8x72xi32>
    tpu.vector_store %arg4[%swap3A_457, %swap3A_458], %convert_element_type3A_456 {strides = array<i32>} : memref<8x72xi32, #tpu.memory_space<vmem>>, vector<8x72xi32>,
    return
  }
}

</mosaic_0001>

<sc_bundles>
// kernel: kernel.6.cloned.1.call-start
scs
__scs_entry_jumppad:
0x0: {  	(pc) =	sbr.rel $0x88, $3  }
0x1: {  	(tag) =	ssettag $0x0;
	lr =	simm.s32 $0x1  }
0x2: {  	[smem:$0x3F9C] =	sst lr;
	_ =	strace $0xD0000000  }
0x3: {  	_ = 	snop  }
0x4: {  	_ = 	snop  }
0x5: {  	_ = 	snop  }
0x6: {  	_ = 	snop  }
0x7: {  	_ = 	snop  }
__scs_overlays_trampoline_lowered:
0x8: {  	[smem:$0x3FAB] =	sst s0  }
0x9: {  	[smem:$0x3FAC] =	sst s1  }
0xa: {  	[smem:$0x3FAD] =	sst s2  }
0xb: {  	[smem:$0x3FAE] =	sst s3  }
0xc: {  	[smem:$0x3FAF] =	sst s4  }
0xd: {  	[smem:$0x3FB0] =	sst s5  }
0xe: {  	[smem:$0x3FB1] =	sst s6  }
0xf: {  	[smem:$0x3FB2] =	sst s7  }
0x10: {  	[smem:$0x3FB3] =	sst s8  }
0x11: {  	[smem:$0x3FB4] =	sst s9;
	s0 =	simm.s32 @!p0 $0x0  }
0x12: {  	s1 =	sld [smem:$0x3F9A];
	s0 =	simm.s32 @p0 $0x1  }
0x13: {  	[smem:$0x3FB5] =	sst s0;
	s0 =	simm.s32 @!p1 $0x0  }
0x14: {  	s2 =	sld [smem:$0x3F99];
	s0 =	simm.s32 @p1 $0x1  }
0x15: {  	[smem:$0x3FB6] =	sst s0;
	s0 =	simm.s32 @!p2 $0x0  }
0x16: {  	s3 =	sld [smem:$0x3FDB];
	s0 =	simm.s32 @p2 $0x1  }
0x17: {  	s4 =	simm.s32 $0x1BF5;
	[smem:$0x3FB8] =	sst s0  }
0x18: {  	s0 =	sld [smem:$0x3F9B];
	_ =	swait.ge [sflag:s4], $0x0  }
0x19: {  	s7 =	sld [smem:$0x3F9C]  }
0x1a: {  	s8 =	sadd.s32 $0xFFFFE003, lr  }
0x1b: {  	s9 =	sadd.s32 $0xFFFFFEF7, lr;
	s5 =	simm.s32 $0xFFFFFFFF;
	p2 =	slt.u32 s8, $0xFFFFF086  }
0x1c: {  	p1 =	slt.u32 s9, $0xF7A;
	s5 =	simm.s32 @!p2 $0x0  }
0x1d: {  	s5 =	simm.s32 @p1 $0x1;
	p0 =	seq.s32 s7, s2  }
0x1e: {  	s7 =	smul.u32 @!p0 $0xF7A, s2;
	p2 =	seq.s32 @!p0 s5, $0x0  }
0x1f: {  	s9 =	smul.u32 $0xF7A, s1;
	s8 =	simm.s32 @!p0 $0x1BF5;
	p2 =	por !p2, p0  }
0x20: {  	[sflag:s8] =	ssyncset.s32 @!p0 $0xFFFFF086;
	s6 =	sadd.s32 @!p0 s3, s7;
	s7 =	simm.s32 @!p0 $0x108  }
0x21: {  	s3 =	sadd.s32 s3, s9;
	s6 =	sadd.s32 @!p0 $0x88, s6;
	s7 =	simm.s32 @p2 $0x1082  }
0x22: {  	[simem:s7], [sflag:s8] =	dma.local @!p0 [hbm:s6], $0xF7A  }
0x23: {  	s9 =	sor.u32 $0xD0000000, s2;
	s6 =	simm.s32 $0x108;
	_ =	swait.ge @!p0 [sflag:s8], $0x0  }
0x24: {  	s3 =	sadd.s32 $0x88, s3;
	s6 =	simm.s32 @!p1 $0x1082;
	[sflag:s4] =	ssyncset.s32 $0xFFFFF086  }
0x25: {  	[simem:s6], [sflag:s4] =	dma.local [hbm:s3], $0xF7A  }
0x26: {  	[smem:$0x3F9C] =	sst s1;
	(tag) =	ssettag s2;
	_ =	strace s9  }
0x27: {  	s1 =	sld [smem:$0x3FAC]  }
0x28: {  	s2 =	sld [smem:$0x3FAD]  }
0x29: {  	s4 =	sld [smem:$0x3FAF]  }
0x2a: {  	p0 =	seq.s32 s5, $0x0;
	s5 =	sld [smem:$0x3FB0]  }
0x2b: {  	s6 =	sld [smem:$0x3FB1]  }
0x2c: {  	s7 =	sld [smem:$0x3FB2]  }
0x2d: {  	s3 =	simm.s32 $0x108;
	s8 =	sld [smem:$0x3FB3]  }
0x2e: {  	s3 =	simm.s32 @!p0 $0x1082;
	s9 =	sld [smem:$0x3FB4]  }
0x2f: {  	lr =	sadd.s32 s0, s3;
	s0 =	sld [smem:$0x3FAB]  }
0x30: {  	s3 =	sld [smem:$0x3FAE]  }
0x31: {  	[smem:$0x3FB7] =	sst s10  }
0x32: {  	s10 =	sld [smem:$0x3FB5];
	_ =	sdelay $0x3  }
0x33: {  	p0 =	seq.s32 s10, $0x1;
	s10 =	sld [smem:$0x3FB7];
	_ =	sdelay $0x3  }
0x34: {  	[smem:$0x3FB7] =	sst s10  }
0x35: {  	s10 =	sld [smem:$0x3FB6];
	_ =	sdelay $0x3  }
0x36: {  	p1 =	seq.s32 s10, $0x1;
	s10 =	sld [smem:$0x3FB7];
	_ =	sdelay $0x3  }
0x37: {  	[smem:$0x3FB7] =	sst s10  }
0x38: {  	s10 =	sld [smem:$0x3FB8]  }
0x39: {  	_ = 	snop;
	(pc) =	sbr.ind lr, $3  }
0x3a: {  	_ = 	snop  }
0x3b: {  	_ = 	snop  }
0x3c: {  	p2 =	seq.s32 s10, $0x1;
	s10 =	sld [smem:$0x3FB7]  }
0x3d: {  	_ =	shalt  }
0x3e: {  	_ =	shalt  }
0x3f: {  	_ =	shalt  }
0x40: {  	_ =	shalt  }
0x41: {  	_ =	shalt  }
0x42: {  	_ =	shalt  }
0x43: {  	_ =	shalt  }
0x44: {  	_ =	shalt  }
0x45: {  	_ =	shalt  }
0x46: {  	_ =	shalt  }
0x47: {  	_ =	shalt  }
0x48: {  	_ =	shalt  }
0x49: {  	_ =	shalt  }
0x4a: {  	_ =	shalt  }
0x4b: {  	_ =	shalt  }
0x4c: {  	_ =	shalt  }
0x4d: {  	_ =	shalt  }
0x4e: {  	_ =	shalt  }
0x4f: {  	_ =	shalt  }
0x50: {  	_ =	shalt  }
0x51: {  	_ =	shalt  }
0x52: {  	_ =	shalt  }
0x53: {  	_ =	shalt  }
0x54: {  	_ =	shalt  }
0x55: {  	_ =	shalt  }
0x56: {  	_ =	shalt  }
0x57: {  	_ =	shalt  }
0x58: {  	_ =	shalt  }
0x59: {  	_ =	shalt  }
0x5a: {  	_ =	shalt  }
0x5b: {  	_ =	shalt  }
0x5c: {  	_ =	shalt  }
0x5d: {  	_ =	shalt  }
0x5e: {  	_ =	shalt  }
0x5f: {  	_ =	shalt  }
0x60: {  	_ =	shalt  }
0x61: {  	_ =	shalt  }
0x62: {  	_ =	shalt  }
0x63: {  	_ =	shalt  }
0x64: {  	_ =	shalt  }
0x65: {  	_ =	shalt  }
0x66: {  	_ =	shalt  }
0x67: {  	_ =	shalt  }
0x68: {  	_ =	shalt  }
0x69: {  	_ =	shalt  }
0x6a: {  	_ =	shalt  }
0x6b: {  	_ =	shalt  }
0x6c: {  	_ =	shalt  }
0x6d: {  	_ =	shalt  }
0x6e: {  	_ =	shalt  }
0x6f: {  	_ =	shalt  }
0x70: {  	_ =	shalt  }
0x71: {  	_ =	shalt  }
0x72: {  	_ =	shalt  }
0x73: {  	_ =	shalt  }
0x74: {  	_ =	shalt  }
0x75: {  	_ =	shalt  }
0x76: {  	_ =	shalt  }
0x77: {  	_ =	shalt  }
0x78: {  	_ =	shalt  }
0x79: {  	_ =	shalt  }
0x7a: {  	_ =	shalt  }
0x7b: {  	_ =	shalt  }
0x7c: {  	_ =	shalt  }
0x7d: {  	_ =	shalt  }
0x7e: {  	_ =	shalt  }
0x7f: {  	_ =	shalt  }
0x80: {  	_ =	shalt  }
0x81: {  	_ =	shalt  }
0x82: {  	_ =	shalt  }
0x83: {  	_ =	shalt  }
0x84: {  	_ =	shalt  }
0x85: {  	_ =	shalt  }
0x86: {  	_ =	shalt  }
0x87: {  	_ =	shalt  }
.Lfunc_end0:
.L_simem_size_0:
called_computation_lowered:
.L_overlay_start_0:
0x88: {  	s2 =	sld [smem:$0x3FD9]  }
0x89: {  	s3 =	sld [smem:$0x3FFE];
	_ =	sdelay $0x1  }
0x8a: {  	s1 =	srdreg.scid  }
0x8b: {  	s0 =	sand.u32 $0x1, s1  }
0x8c: {  	s17 =	sshll.u32 s0, $0xA;
	s2 =	sadd.s32 s3, s2  }
0x8d: {  	s2 =	sadd.s32 s2, s17  }
0x8e: {  	[smem:$0x3FC3] =	sst s2  }
0x8f: {  	_ = 	snop  }
0x90: {  	s2 =	sld [smem:$0x3FC9];
	(tm) =	ssettm $0x1  }
0x91: {  	s18 =	sld [smem:$0x3FFB];
	_ =	sdelay $0x3  }
0x92: {  	_ =	strace s18  }
0x93: {  	s3 =	sld [smem:$0x3FFC];
	_ =	sdelay $0x3  }
0x94: {  	_ =	strace s3  }
0x95: {  	s3 =	sld [smem:$0x3FFD];
	_ =	sdelay $0x3  }
0x96: {  	_ =	strace s3  }
0x97: {  	_ =	strace $0x8FFFFFFF  }
0x98: {  	s19 =	sld [smem:$0x3FDB];
	_ =	sdelay $0x1  }
0x99: {  	s4 =	simm.s32 $_scs_section_size  }
0x9a: {  	s5 =	simm.s32 $_size__tile_overlayer_lowered;
	s6 =	simm.s32 $_tile_overlayer_lowered  }
0x9b: {  	s22 =	simm.s32 $0x1BFF;
	s21 =	sshll.u32 s6, $0x1;
	s3 =	sadd.s32 s4, s19  }
0x9c: {  	s7 =	simm.s32 $0x0;
	s20 =	sshll.u32 s5, $0x1;
	s5 =	sadd.s32 s21, s3  }
0x9d: {  	[timem:s7], [sflag:s22] =	dma.local [hbm:s5], s20  }
0x9e: {  	_ =	swait.ge [sflag:s22], s20  }
0x9f: {  	s4 =	ssub.s32 $0x0, s20;
	[sflag:s22] =	ssyncset.done $0x0  }
0xa0: {  	[sflag:s22] =	ssyncadd.s32 s4;
	_ =	sdelay $0x1  }
0xa1: {  	s23 =	simm.s32 $0x1B8B  }
0xa2: {  	_ =	swait.ge [sflag:s23], $0x1  }
0xa3: {  	[sflag:s23] =	ssyncset.done $0x0  }
0xa4: {  	s25 =	simm.s32 $0x1B8E;
	s24 =	sld [smem:$0x3FFE];
	[sflag:s23] =	ssyncadd.s32 $0xFFFFFFFF  }
0xa5: {  	s26 =	simm.s32 $execute0_lowered;
	[smem:$0x3FD2] =	sst s25  }
0xa6: {  	s5 =	sshll.u32 s26, $0x1;
	_ =	strace $0x80000046;
	[dreg:$0x1] =	wrdreg $0xFFFFFFFF  }
0xa7: {  	s28 =	simm.s32 $_size_execute0_lowered;
	s3 =	sadd.s32 s3, s5;
	[dreg:$0x0] =	wrdreg $0x0  }
0xa8: {  	s5 =	sshll.u32 s28, $0x1;
	[dreg:$0x2] =	wrdreg s3  }
0xa9: {  	[dreg:$0x3] =	wrdreg s5  }
0xaa: {  	[dreg:$0x4] =	wrdreg $0xC0  }
0xab: {  	_ =	task [dreg:s7], $0x5FFFF  }
0xac: {  	[dreg:$0x1] =	wrdreg $0xFFFFFFFF  }
0xad: {  	[dreg:$0x0] =	wrdreg $0x60  }
0xae: {  	[dreg:$0x2] =	wrdreg s2  }
0xaf: {  	[dreg:$0x3] =	wrdreg s24  }
0xb0: {  	[dreg:$0x4] =	wrdreg $0x9  }
0xb1: {  	_ =	task.clear_ibuf [dreg:s7], $0x5FFFF;
	_ =	strace $0x90000046  }
0xb2: {  	s29 =	simm.s32 $0x9;
	_ =	strace $0x80000048  }
0xb3: {  	_ =	swait.ge [sflag:s29], $0x1  }
0xb4: {  	[sflag:s29] =	ssyncadd.s32 $0xFFFFFFFF  }
0xb5: {  	_ =	strace $0x90000048  }
0xb6: {  	_ =	sfence  }
0xb7: {  	s30 =	sld [smem:$0x0];
	_ =	sdelay $0x2  }
0xb8: {  	s31 =	sshll.u32 s1, $0xD;
	s1 =	sshrl.u32 s1, $0x2  }
0xb9: {  	s3 =	sand.u32 $0x4000, s31;
	s1 =	sadd.s32 s1, s30  }
0xba: {  	s0 =	sor.u32 s3, s0;
	s1 =	sshll.u32 s1, $0x11  }
0xbb: {  	s0 =	sor.u32 s1, s0  }
0xbc: {  	s0 =	sadd.s32 $0x8F2B, s0  }
0xbd: {  	[sflag:s0] =	ssyncadd.remote.s32 $0x1  }
0xbe: {  	_ =	sfence.sel $0xFFFF  }
0xbf: {  	[dreg:$0x0] =	wrdreg $0xFFFFFFFF;
	(pc) =	sbr.abs _section_cstart, $3  }
0xc0: {  	[dreg:$0x1] =	wrdreg $0xFFFFFFFF  }
0xc1: {  	_ =	task.clear_ibuf [dreg:s7], $0x2FFFF;
	_ =	strace $0x9FFFFFFF  }
0xc2: {  	(tm) =	ssettm $0x7FFFFFFF  }
0xc3: {  	_ =	shalt  }
tec
execute0_lowered:
.L_overlay_start_1:
0x0: {  	(tag) =	ssettag $0x1  }
0x1: {  	s1 =	srdreg.scid  }
0x2: {  	s3 =	rddreg [dreg:$0x0];
	s0 =	stileid.u32  }
0x3: {  	s5 =	rddreg [dreg:$0x1];
	s2 =	simm.s32 $0x0;
	s8 =	simm.s32 $0x80  }
0x4: {  	s26 =	simm.s32 $0x880;
	s9 =	simm.s32 $0x1080;
	s10 =	simm.s32 $0x1880  }
0x5: {  	s11 =	simm.s32 $0x2080;
	s12 =	simm.s32 $0x2880;
	s13 =	simm.s32 $0x3080  }
0x6: {  	s14 =	simm.s32 $0x3880;
	s15 =	simm.s32 $0x4080;
	s16 =	simm.s32 $0x4880  }
0x7: {  	s17 =	simm.s32 $0x5080;
	s18 =	simm.s32 $0x5880;
	s19 =	simm.s32 $0x6080  }
0x8: {  	s20 =	simm.s32 $0x6880;
	s21 =	simm.s32 $0x7080;
	s22 =	simm.s32 $0x7880  }
0x9: {  	s23 =	simm.s32 $0x8080;
	s24 =	simm.s32 $0x8880;
	s25 =	simm.s32 $0x9080  }
0xa: {  	s28 =	simm.s32 $0xA080;
	s29 =	simm.s32 $0xA880;
	s30 =	simm.s32 $0xB080  }
0xb: {  	s31 =	simm.s32 $0xB880;
	s1 =	sand.u32 $0x1, s1;
	[smem:$0x7FF] =	sst s2  }
0xc: {  	s4 =	sshll.u32 s0, $0x4;
	s6 =	sshll.u32 s1, $0x3;
	_ =	strace $0x80000047  }
0xd: {  	s1 =	ssub.s32 $0x2, s1;
	[dreg:$0x5] =	wrdreg s26;
	s4 =	sor.u32 s6, s4  }
0xe: {  	s7 =	sshrl.u32 s1, $0x1;
	s6 =	sadd.s32 s4, s5;
	s4 =	smul.u32 $0x300, s4  }
0xf: {  	s26 =	simm.s32 $0x9880;
	s1 =	ssub.s32 s1, s7;
	s6 =	sadd.s32 $0x1800, s6  }
0x10: {  	v2 =	vlaneseq.u32;
	s7 =	simm.s32 $0x2;
	[dreg:$0x3] =	wrdreg s6;
	s4 =	sadd.s32 s3, s4  }
0x11: {  	vm0 =	vmmov $0xffff;
	v1 =	vshrl.u32 v2, $0x3;
	s3 =	sadd.s32 $0x9A00, s5;
	s6 =	smax.u32 s1, $0x1;
	s1 =	simm.s32 $0x1  }
0x12: {  	v0 =	vand.u32 $0x7, v2;
	v2 =	vor.u32 $0x8, v2;
	v1 =	vmul.u32 $0x8, v1;
	[dreg:$0x4] =	wrdreg s4;
	s4 =	sadd.s32 $0x9B00, s5;
	s5 =	sadd.s32 $0x9C00, s5  }
.LBB2_1:
0x13: {  	s0 =	rddreg [dreg:$0x3]  }
0x14: {  	[tilespmem:s2], [sflag:$0x2] =	stream.linear.gather [hbm4b:s0+s2], $0x40, $0x38;
	[tilespmem:$0xC080] =	vst v63  }
0x15: {  	_ =	swait.ge [sflag:s7], $0x40  }
0x16: {  	[sflag:s7] =	ssyncset.done $0x0  }
0x17: {  	s0 =	rddreg [dreg:$0x4];
	[sflag:s7] =	ssyncadd.s32 $0xFFFFFFC0  }
0x18: {  	[tilespmem:s8], [sflag:$0x2] =	stream.linear.gather [hbm4b:s0+s2], $0xC000, $0x38;
	[tilespmem:$0xC080] =	vst v63  }
0x19: {  	_ =	swait.ge [sflag:s7], $0xC000  }
0x1a: {  	[sflag:s7] =	ssyncset.done $0x0  }
0x1b: {  	[sflag:s7] =	ssyncadd.s32 $0xFFFF4000  }
0x1c: {  	v3 =	vld [tilespmem:$0x0];
	_ =	sdelay $0x4  }
0x1d: {  	v4 =	vshrl.u32 v3, $0x3  }
0x1e: {  	v4 =	vmul.u32 $0x30, v4  }
0x1f: {  	v3 =	vand.u32 $0x7, v3  }
0x20: {  	v3 =	vor.u32 v3, v4  }
0x21: {  	v4 =	vperm.xlane v3, v0;
	_ =	sdelay $0x1  }
0x22: {  	v4 =	vadd.s32 v1, v4;
	_ =	sdelay $0x3  }
0x23: {  	v3 =	vperm.xlane v3, v2  }
0x24: {  	[hbm4b:s3+s2] =	stream.indirect_vreg.scatter [tilespmem:s8], [sflag:$0x1], $0x80, v4, vm0, $0xb8;
	[tilespmem:$0xC080] =	vst v63  }
0x25: {  	s0 =	rddreg [dreg:$0x5];
	v3 =	vadd.s32 v1, v3  }
0x26: {  	[hbm4b:s4+s2] =	stream.indirect_vreg.scatter [tilespmem:s0], [sflag:$0x1], $0x80, v4, vm0, $0xb8;
	[tilespmem:$0xC080] =	vst v63  }
0x27: {  	_ = 	snop  }
0x28: {  	[hbm4b:s5+s2] =	stream.indirect_vreg.scatter [tilespmem:s9], [sflag:$0x1], $0x80, v4, vm0, $0xb8;
	[tilespmem:$0xC080] =	vst v63  }
0x29: {  	_ = 	snop  }
0x2a: {  	[hbm4b:s3+s2] =	stream.indirect_vreg.scatter [tilespmem:s10], [sflag:$0x1], $0x80, v3, vm0, $0xb8;
	[tilespmem:$0xC080] =	vst v63  }
0x2b: {  	_ = 	snop  }
0x2c: {  	[hbm4b:s4+s2] =	stream.indirect_vreg.scatter [tilespmem:s11], [sflag:$0x1], $0x80, v3, vm0, $0xb8;
	[tilespmem:$0xC080] =	vst v63  }
0x2d: {  	_ = 	snop  }
0x2e: {  	[hbm4b:s5+s2] =	stream.indirect_vreg.scatter [tilespmem:s12], [sflag:$0x1], $0x80, v3, vm0, $0xb8;
	[tilespmem:$0xC080] =	vst v63  }
0x2f: {  	v3 =	vld [tilespmem:$0x10];
	_ =	sdelay $0x4  }
0x30: {  	v61 =	vshrl.u32 v3, $0x3  }
0x31: {  	v4 =	vmul.u32 $0x30, v61  }
0x32: {  	v3 =	vand.u32 $0x7, v3  }
0x33: {  	v3 =	vor.u32 v3, v4  }
0x34: {  	v4 =	vperm.xlane v3, v0;
	_ =	sdelay $0x1  }
0x35: {  	v4 =	vadd.s32 v1, v4;
	_ =	sdelay $0x3  }
0x36: {  	v3 =	vperm.xlane v3, v2  }
0x37: {  	[hbm4b:s3+s2] =	stream.indirect_vreg.scatter [tilespmem:s13], [sflag:$0x1], $0x80, v4, vm0, $0xb8;
	[tilespmem:$0xC080] =	vst v63  }
0x38: {  	v3 =	vadd.s32 v1, v3  }
0x39: {  	[hbm4b:s4+s2] =	stream.indirect_vreg.scatter [tilespmem:s14], [sflag:$0x1], $0x80, v4, vm0, $0xb8;
	[tilespmem:$0xC080] =	vst v63  }
0x3a: {  	_ = 	snop  }
0x3b: {  	[hbm4b:s5+s2] =	stream.indirect_vreg.scatter [tilespmem:s15], [sflag:$0x1], $0x80, v4, vm0, $0xb8;
	[tilespmem:$0xC080] =	vst v63  }
0x3c: {  	_ = 	snop  }
0x3d: {  	[hbm4b:s3+s2] =	stream.indirect_vreg.scatter [tilespmem:s16], [sflag:$0x1], $0x80, v3, vm0, $0xb8;
	[tilespmem:$0xC080] =	vst v63  }
0x3e: {  	_ = 	snop  }
0x3f: {  	[hbm4b:s4+s2] =	stream.indirect_vreg.scatter [tilespmem:s17], [sflag:$0x1], $0x80, v3, vm0, $0xb8;
	[tilespmem:$0xC080] =	vst v63  }
0x40: {  	_ = 	snop  }
0x41: {  	[hbm4b:s5+s2] =	stream.indirect_vreg.scatter [tilespmem:s18], [sflag:$0x1], $0x80, v3, vm0, $0xb8;
	[tilespmem:$0xC080] =	vst v63  }
0x42: {  	v3 =	vld [tilespmem:$0x20];
	_ =	sdelay $0x4  }
0x43: {  	v62 =	vshrl.u32 v3, $0x3  }
0x44: {  	v4 =	vmul.u32 $0x30, v62  }
0x45: {  	v3 =	vand.u32 $0x7, v3  }
0x46: {  	v3 =	vor.u32 v3, v4  }
0x47: {  	v4 =	vperm.xlane v3, v0;
	_ =	sdelay $0x1  }
0x48: {  	v4 =	vadd.s32 v1, v4;
	_ =	sdelay $0x3  }
0x49: {  	v3 =	vperm.xlane v3, v2  }
0x4a: {  	[hbm4b:s3+s2] =	stream.indirect_vreg.scatter [tilespmem:s19], [sflag:$0x1], $0x80, v4, vm0, $0xb8;
	[tilespmem:$0xC080] =	vst v63  }
0x4b: {  	v3 =	vadd.s32 v1, v3  }
0x4c: {  	[hbm4b:s4+s2] =	stream.indirect_vreg.scatter [tilespmem:s20], [sflag:$0x1], $0x80, v4, vm0, $0xb8;
	[tilespmem:$0xC080] =	vst v63  }
0x4d: {  	_ = 	snop  }
0x4e: {  	[hbm4b:s5+s2] =	stream.indirect_vreg.scatter [tilespmem:s21], [sflag:$0x1], $0x80, v4, vm0, $0xb8;
	[tilespmem:$0xC080] =	vst v63  }
0x4f: {  	_ = 	snop  }
0x50: {  	[hbm4b:s3+s2] =	stream.indirect_vreg.scatter [tilespmem:s22], [sflag:$0x1], $0x80, v3, vm0, $0xb8;
	[tilespmem:$0xC080] =	vst v63  }
0x51: {  	_ = 	snop  }
0x52: {  	[hbm4b:s4+s2] =	stream.indirect_vreg.scatter [tilespmem:s23], [sflag:$0x1], $0x80, v3, vm0, $0xb8;
	[tilespmem:$0xC080] =	vst v63  }
0x53: {  	_ = 	snop  }
0x54: {  	[hbm4b:s5+s2] =	stream.indirect_vreg.scatter [tilespmem:s24], [sflag:$0x1], $0x80, v3, vm0, $0xb8;
	[tilespmem:$0xC080] =	vst v63  }
0x55: {  	v3 =	vld [tilespmem:$0x30];
	_ =	sdelay $0x4  }
0x56: {  	v63 =	vshrl.u32 v3, $0x3  }
0x57: {  	v4 =	vmul.u32 $0x30, v63  }
0x58: {  	v3 =	vand.u32 $0x7, v3  }
0x59: {  	v3 =	vor.u32 v3, v4  }
0x5a: {  	v4 =	vperm.xlane v3, v0;
	_ =	sdelay $0x1  }
0x5b: {  	v4 =	vadd.s32 v1, v4;
	_ =	sdelay $0x3  }
0x5c: {  	v3 =	vperm.xlane v3, v2  }
0x5d: {  	[hbm4b:s3+s2] =	stream.indirect_vreg.scatter [tilespmem:s25], [sflag:$0x1], $0x80, v4, vm0, $0xb8;
	[tilespmem:$0xC080] =	vst v63  }
0x5e: {  	v3 =	vadd.s32 v1, v3  }
0x5f: {  	[hbm4b:s4+s2] =	stream.indirect_vreg.scatter [tilespmem:s26], [sflag:$0x1], $0x80, v4, vm0, $0xb8;
	[tilespmem:$0xC080] =	vst v63  }
0x60: {  	_ = 	snop  }
0x61: {  	[hbm4b:s5+s2] =	stream.indirect_vreg.scatter [tilespmem:s28], [sflag:$0x1], $0x80, v4, vm0, $0xb8;
	[tilespmem:$0xC080] =	vst v63  }
0x62: {  	_ = 	snop  }
0x63: {  	[hbm4b:s3+s2] =	stream.indirect_vreg.scatter [tilespmem:s29], [sflag:$0x1], $0x80, v3, vm0, $0xb8;
	[tilespmem:$0xC080] =	vst v63  }
0x64: {  	p0 =	sne.s32 s6, $0x1  }
0x65: {  	[hbm4b:s4+s2] =	stream.indirect_vreg.scatter [tilespmem:s30], [sflag:$0x1], $0x80, v3, vm0, $0xb8;
	[tilespmem:$0xC080] =	vst v63  }
.Ltmp0:
0x66: {  	_ = 	snop;
	(pc) =	sbr.rel @p0 .LBB2_1-.Ltmp0, $4  }
0x67: {  	[hbm4b:s5+s2] =	stream.indirect_vreg.scatter [tilespmem:s31], [sflag:$0x1], $0x80, v3, vm0, $0xb8;
	[tilespmem:$0xC080] =	vst v63  }
0x68: {  	_ =	swait.ge [sflag:s1], $0xC000  }
0x69: {  	[sflag:s1] =	ssyncset.done $0x0  }
0x6a: {  	s6 =	sadd.s32 $0xFFFFFFFF, s6;
	[sflag:s1] =	ssyncadd.s32 $0xFFFF4000  }
0x6b: {  	_ =	sfence.sel $0x180000  }
0x6c: {  	[bflag:$0x0] =	sbarrier.arrive $0xFFFF  }
0x6d: {  	_ =	strace $0x90000047  }
0x6e: {  	s0 =	stileid.u32;
	[bflag:$0x2] =	sbarrier.arrive $0xFFFF  }
0x6f: {  	p0 =	sne.s32 s0, $0x0;
	s0 =	rddreg [dreg:$0x2]  }
0x70: {  	s0 =	sadd.s32 @!p0 $0x100000, s0  }
0x71: {  	[sflag:s0] =	ssyncadd.tile.s32 @!p0 $0x1;
	_ =	shalt  }
.Lfunc_end2:
_tile_overlayer_lowered:
.L_overlay_start_2:
0x72: {  	(tag) =	ssettag $0x2  }
0x73: {  	s0 =	rddreg [dreg:$0x0];
	s2 =	stileid.u32  }
0x74: {  	s1 =	rddreg [dreg:$0x1];
	p0 =	sne.s32 s2, $0x0  }
0x75: {  	s3 =	rddreg [dreg:$0x2];
	[bflag:$0x3] =	sbarrier.arrive $0xFFFF;
	s2 =	simm.s32 @!p0 $0x1C02  }
0x76: {  	[timem:s3], [sflag:s2] =	dma.local @!p0 [hbm:s0], s1  }
0x77: {  	s0 =	simm.s32 @!p0 $0x2  }
0x78: {  	_ =	swait.ge @!p0 [sflag:s0], s1  }
0x79: {  	s1 =	ssub.s32 @!p0 $0x0, s1;
	[sflag:s0] =	ssyncset.done @!p0 $0x0  }
0x7a: {  	[sflag:s0] =	ssyncadd.s32 @!p0 s1  }
0x7b: {  	[bflag:$0x3] =	sbarrier.arrive $0xFFFF  }
0x7c: {  	_ =	shalt  }

// kernel: kernel.9.cloned.1.call-start
scs
__scs_entry_jumppad:
0x0: {  	(pc) =	sbr.rel $0x88, $3  }
0x1: {  	(tag) =	ssettag $0x0;
	lr =	simm.s32 $0x1  }
0x2: {  	[smem:$0x3F9C] =	sst lr;
	_ =	strace $0xD0000000  }
0x3: {  	_ = 	snop  }
0x4: {  	_ = 	snop  }
0x5: {  	_ = 	snop  }
0x6: {  	_ = 	snop  }
0x7: {  	_ = 	snop  }
__scs_overlays_trampoline_lowered:
0x8: {  	[smem:$0x3FAB] =	sst s0  }
0x9: {  	[smem:$0x3FAC] =	sst s1  }
0xa: {  	[smem:$0x3FAD] =	sst s2  }
0xb: {  	[smem:$0x3FAE] =	sst s3  }
0xc: {  	[smem:$0x3FAF] =	sst s4  }
0xd: {  	[smem:$0x3FB0] =	sst s5  }
0xe: {  	[smem:$0x3FB1] =	sst s6  }
0xf: {  	[smem:$0x3FB2] =	sst s7  }
0x10: {  	[smem:$0x3FB3] =	sst s8  }
0x11: {  	[smem:$0x3FB4] =	sst s9;
	s0 =	simm.s32 @!p0 $0x0  }
0x12: {  	s1 =	sld [smem:$0x3F9A];
	s0 =	simm.s32 @p0 $0x1  }
0x13: {  	[smem:$0x3FB5] =	sst s0;
	s0 =	simm.s32 @!p1 $0x0  }
0x14: {  	s2 =	sld [smem:$0x3F99];
	s0 =	simm.s32 @p1 $0x1  }
0x15: {  	[smem:$0x3FB6] =	sst s0;
	s0 =	simm.s32 @!p2 $0x0  }
0x16: {  	s3 =	sld [smem:$0x3FDB];
	s0 =	simm.s32 @p2 $0x1  }
0x17: {  	s4 =	simm.s32 $0x1BF5;
	[smem:$0x3FB8] =	sst s0  }
0x18: {  	s0 =	sld [smem:$0x3F9B];
	_ =	swait.ge [sflag:s4], $0x0  }
0x19: {  	s7 =	sld [smem:$0x3F9C]  }
0x1a: {  	s8 =	sadd.s32 $0xFFFFE003, lr  }
0x1b: {  	s9 =	sadd.s32 $0xFFFFFEF7, lr;
	s5 =	simm.s32 $0xFFFFFFFF;
	p2 =	slt.u32 s8, $0xFFFFF086  }
0x1c: {  	p1 =	slt.u32 s9, $0xF7A;
	s5 =	simm.s32 @!p2 $0x0  }
0x1d: {  	s5 =	simm.s32 @p1 $0x1;
	p0 =	seq.s32 s7, s2  }
0x1e: {  	s7 =	smul.u32 @!p0 $0xF7A, s2;
	p2 =	seq.s32 @!p0 s5, $0x0  }
0x1f: {  	s9 =	smul.u32 $0xF7A, s1;
	s8 =	simm.s32 @!p0 $0x1BF5;
	p2 =	por !p2, p0  }
0x20: {  	[sflag:s8] =	ssyncset.s32 @!p0 $0xFFFFF086;
	s6 =	sadd.s32 @!p0 s3, s7;
	s7 =	simm.s32 @!p0 $0x108  }
0x21: {  	s3 =	sadd.s32 s3, s9;
	s6 =	sadd.s32 @!p0 $0x88, s6;
	s7 =	simm.s32 @p2 $0x1082  }
0x22: {  	[simem:s7], [sflag:s8] =	dma.local @!p0 [hbm:s6], $0xF7A  }
0x23: {  	s9 =	sor.u32 $0xD0000000, s2;
	s6 =	simm.s32 $0x108;
	_ =	swait.ge @!p0 [sflag:s8], $0x0  }
0x24: {  	s3 =	sadd.s32 $0x88, s3;
	s6 =	simm.s32 @!p1 $0x1082;
	[sflag:s4] =	ssyncset.s32 $0xFFFFF086  }
0x25: {  	[simem:s6], [sflag:s4] =	dma.local [hbm:s3], $0xF7A  }
0x26: {  	[smem:$0x3F9C] =	sst s1;
	(tag) =	ssettag s2;
	_ =	strace s9  }
0x27: {  	s1 =	sld [smem:$0x3FAC]  }
0x28: {  	s2 =	sld [smem:$0x3FAD]  }
0x29: {  	s4 =	sld [smem:$0x3FAF]  }
0x2a: {  	p0 =	seq.s32 s5, $0x0;
	s5 =	sld [smem:$0x3FB0]  }
0x2b: {  	s6 =	sld [smem:$0x3FB1]  }
0x2c: {  	s7 =	sld [smem:$0x3FB2]  }
0x2d: {  	s3 =	simm.s32 $0x108;
	s8 =	sld [smem:$0x3FB3]  }
0x2e: {  	s3 =	simm.s32 @!p0 $0x1082;
	s9 =	sld [smem:$0x3FB4]  }
0x2f: {  	lr =	sadd.s32 s0, s3;
	s0 =	sld [smem:$0x3FAB]  }
0x30: {  	s3 =	sld [smem:$0x3FAE]  }
0x31: {  	[smem:$0x3FB7] =	sst s10  }
0x32: {  	s10 =	sld [smem:$0x3FB5];
	_ =	sdelay $0x3  }
0x33: {  	p0 =	seq.s32 s10, $0x1;
	s10 =	sld [smem:$0x3FB7];
	_ =	sdelay $0x3  }
0x34: {  	[smem:$0x3FB7] =	sst s10  }
0x35: {  	s10 =	sld [smem:$0x3FB6];
	_ =	sdelay $0x3  }
0x36: {  	p1 =	seq.s32 s10, $0x1;
	s10 =	sld [smem:$0x3FB7];
	_ =	sdelay $0x3  }
0x37: {  	[smem:$0x3FB7] =	sst s10  }
0x38: {  	s10 =	sld [smem:$0x3FB8]  }
0x39: {  	_ = 	snop;
	(pc) =	sbr.ind lr, $3  }
0x3a: {  	_ = 	snop  }
0x3b: {  	_ = 	snop  }
0x3c: {  	p2 =	seq.s32 s10, $0x1;
	s10 =	sld [smem:$0x3FB7]  }
0x3d: {  	_ =	shalt  }
0x3e: {  	_ =	shalt  }
0x3f: {  	_ =	shalt  }
0x40: {  	_ =	shalt  }
0x41: {  	_ =	shalt  }
0x42: {  	_ =	shalt  }
0x43: {  	_ =	shalt  }
0x44: {  	_ =	shalt  }
0x45: {  	_ =	shalt  }
0x46: {  	_ =	shalt  }
0x47: {  	_ =	shalt  }
0x48: {  	_ =	shalt  }
0x49: {  	_ =	shalt  }
0x4a: {  	_ =	shalt  }
0x4b: {  	_ =	shalt  }
0x4c: {  	_ =	shalt  }
0x4d: {  	_ =	shalt  }
0x4e: {  	_ =	shalt  }
0x4f: {  	_ =	shalt  }
0x50: {  	_ =	shalt  }
0x51: {  	_ =	shalt  }
0x52: {  	_ =	shalt  }
0x53: {  	_ =	shalt  }
0x54: {  	_ =	shalt  }
0x55: {  	_ =	shalt  }
0x56: {  	_ =	shalt  }
0x57: {  	_ =	shalt  }
0x58: {  	_ =	shalt  }
0x59: {  	_ =	shalt  }
0x5a: {  	_ =	shalt  }
0x5b: {  	_ =	shalt  }
0x5c: {  	_ =	shalt  }
0x5d: {  	_ =	shalt  }
0x5e: {  	_ =	shalt  }
0x5f: {  	_ =	shalt  }
0x60: {  	_ =	shalt  }
0x61: {  	_ =	shalt  }
0x62: {  	_ =	shalt  }
0x63: {  	_ =	shalt  }
0x64: {  	_ =	shalt  }
0x65: {  	_ =	shalt  }
0x66: {  	_ =	shalt  }
0x67: {  	_ =	shalt  }
0x68: {  	_ =	shalt  }
0x69: {  	_ =	shalt  }
0x6a: {  	_ =	shalt  }
0x6b: {  	_ =	shalt  }
0x6c: {  	_ =	shalt  }
0x6d: {  	_ =	shalt  }
0x6e: {  	_ =	shalt  }
0x6f: {  	_ =	shalt  }
0x70: {  	_ =	shalt  }
0x71: {  	_ =	shalt  }
0x72: {  	_ =	shalt  }
0x73: {  	_ =	shalt  }
0x74: {  	_ =	shalt  }
0x75: {  	_ =	shalt  }
0x76: {  	_ =	shalt  }
0x77: {  	_ =	shalt  }
0x78: {  	_ =	shalt  }
0x79: {  	_ =	shalt  }
0x7a: {  	_ =	shalt  }
0x7b: {  	_ =	shalt  }
0x7c: {  	_ =	shalt  }
0x7d: {  	_ =	shalt  }
0x7e: {  	_ =	shalt  }
0x7f: {  	_ =	shalt  }
0x80: {  	_ =	shalt  }
0x81: {  	_ =	shalt  }
0x82: {  	_ =	shalt  }
0x83: {  	_ =	shalt  }
0x84: {  	_ =	shalt  }
0x85: {  	_ =	shalt  }
0x86: {  	_ =	shalt  }
0x87: {  	_ =	shalt  }
.Lfunc_end0:
.L_simem_size_0:
called_computation.1_lowered:
.L_overlay_start_0:
0x88: {  	s2 =	sld [smem:$0x3FD9]  }
0x89: {  	s3 =	sld [smem:$0x3FFE];
	_ =	sdelay $0x1  }
0x8a: {  	s1 =	srdreg.scid  }
0x8b: {  	s0 =	sand.u32 $0x1, s1  }
0x8c: {  	s14 =	sshll.u32 s0, $0xA;
	s2 =	sadd.s32 s3, s2  }
0x8d: {  	s2 =	sadd.s32 s2, s14  }
0x8e: {  	[smem:$0x3FC3] =	sst s2  }
0x8f: {  	_ = 	snop  }
0x90: {  	s2 =	sld [smem:$0x3FD0];
	_ =	sdelay $0x2  }
0x91: {  	s15 =	simm.s32 $0xA;
	s4 =	simm.s32 $0x10  }
0x92: {  	[smem:s4], [sflag:s15] =	dma.local [hbm:s2], $0x1  }
0x93: {  	_ =	swait.eq [sflag:s15], $0x1  }
0x94: {  	[sflag:s15] =	ssyncset.done $0x0  }
0x95: {  	[sflag:s15] =	ssyncadd.s32 $0xFFFFFFFF  }
0x96: {  	s16 =	sld [smem:$0x10];
	(tm) =	ssettm $0x1  }
0x97: {  	s17 =	sld [smem:$0x3FFB];
	_ =	sdelay $0x3  }
0x98: {  	_ =	strace s17  }
0x99: {  	s3 =	sld [smem:$0x3FFC];
	_ =	sdelay $0x3  }
0x9a: {  	_ =	strace s3  }
0x9b: {  	s3 =	sld [smem:$0x3FFD];
	_ =	sdelay $0x3  }
0x9c: {  	_ =	strace s3  }
0x9d: {  	_ =	strace $0x8FFFFFFF  }
0x9e: {  	s18 =	sld [smem:$0x3FDB];
	_ =	sdelay $0x1  }
0x9f: {  	s19 =	simm.s32 $_scs_section_size  }
0xa0: {  	s5 =	simm.s32 $_size__tile_overlayer_lowered;
	s6 =	simm.s32 $_tile_overlayer_lowered  }
0xa1: {  	s22 =	simm.s32 $0x1BFF;
	s21 =	sshll.u32 s6, $0x1;
	s3 =	sadd.s32 s19, s18  }
0xa2: {  	s7 =	simm.s32 $0x0;
	s20 =	sshll.u32 s5, $0x1;
	s5 =	sadd.s32 s21, s3  }
0xa3: {  	[timem:s7], [sflag:s22] =	dma.local [hbm:s5], s20  }
0xa4: {  	_ =	swait.ge [sflag:s22], s20  }
0xa5: {  	s4 =	ssub.s32 $0x0, s20;
	[sflag:s22] =	ssyncset.done $0x0  }
0xa6: {  	[sflag:s22] =	ssyncadd.s32 s4;
	_ =	sdelay $0x1  }
0xa7: {  	s23 =	simm.s32 $0x1B8B  }
0xa8: {  	_ =	swait.ge [sflag:s23], $0x1  }
0xa9: {  	[sflag:s23] =	ssyncset.done $0x0  }
0xaa: {  	s25 =	simm.s32 $0x1B8E;
	s24 =	sld [smem:$0x3FFE];
	[sflag:s23] =	ssyncadd.s32 $0xFFFFFFFF  }
0xab: {  	s26 =	simm.s32 $execute0_lowered;
	[smem:$0x3FD2] =	sst s25  }
0xac: {  	s5 =	sshll.u32 s26, $0x1;
	_ =	strace $0x80000049;
	[dreg:$0x1] =	wrdreg $0xFFFFFFFF  }
0xad: {  	s28 =	simm.s32 $_size_execute0_lowered;
	s3 =	sadd.s32 s3, s5;
	[dreg:$0x0] =	wrdreg $0x0  }
0xae: {  	s5 =	sshll.u32 s28, $0x1;
	[dreg:$0x2] =	wrdreg s3  }
0xaf: {  	[dreg:$0x3] =	wrdreg s5  }
0xb0: {  	[dreg:$0x4] =	wrdreg $0xC0  }
0xb1: {  	_ =	task [dreg:s7], $0x5FFFF  }
0xb2: {  	[dreg:$0x1] =	wrdreg $0xFFFFFFFF  }
0xb3: {  	[dreg:$0x0] =	wrdreg $0x60  }
0xb4: {  	[dreg:$0x2] =	wrdreg s24  }
0xb5: {  	[dreg:$0x3] =	wrdreg s16  }
0xb6: {  	[dreg:$0x4] =	wrdreg $0x9  }
0xb7: {  	_ =	task.clear_ibuf [dreg:s7], $0x5FFFF;
	_ =	strace $0x90000049  }
0xb8: {  	s29 =	simm.s32 $0x9;
	_ =	strace $0x8000004B  }
0xb9: {  	_ =	swait.ge [sflag:s29], $0x1  }
0xba: {  	[sflag:s29] =	ssyncadd.s32 $0xFFFFFFFF  }
0xbb: {  	_ =	strace $0x9000004B  }
0xbc: {  	_ =	sfence  }
0xbd: {  	s30 =	sld [smem:$0x0];
	_ =	sdelay $0x2  }
0xbe: {  	s31 =	sshll.u32 s1, $0xD;
	s1 =	sshrl.u32 s1, $0x2  }
0xbf: {  	s3 =	sand.u32 $0x4000, s31;
	s1 =	sadd.s32 s1, s30  }
0xc0: {  	s0 =	sor.u32 s3, s0;
	s1 =	sshll.u32 s1, $0x11  }
0xc1: {  	s0 =	sor.u32 s1, s0  }
0xc2: {  	s0 =	sadd.s32 $0x8F2B, s0  }
0xc3: {  	[sflag:s0] =	ssyncadd.remote.s32 $0x1  }
0xc4: {  	_ =	sfence.sel $0xFFFF  }
0xc5: {  	[dreg:$0x0] =	wrdreg $0xFFFFFFFF;
	(pc) =	sbr.abs _section_cstart, $3  }
0xc6: {  	[dreg:$0x1] =	wrdreg $0xFFFFFFFF  }
0xc7: {  	_ =	task.clear_ibuf [dreg:s7], $0x2FFFF;
	_ =	strace $0x9FFFFFFF  }
0xc8: {  	(tm) =	ssettm $0x7FFFFFFF  }
0xc9: {  	_ =	shalt  }
tec
execute0_lowered:
.L_overlay_start_1:
0x0: {  	(tag) =	ssettag $0x1  }
0x1: {  	s0 =	rddreg [dreg:$0x0]  }
0x2: {  	s5 =	rddreg [dreg:$0x1];
	s3 =	srdreg.scid  }
0x3: {  	s2 =	simm.s32 $0x0;
	s1 =	stileid.u32;
	s26 =	simm.s32 $0x880  }
0x4: {  	s10 =	simm.s32 $0x1880;
	s11 =	simm.s32 $0x2080;
	s12 =	simm.s32 $0x2880  }
0x5: {  	s13 =	simm.s32 $0x3080;
	s14 =	simm.s32 $0x3880;
	s15 =	simm.s32 $0x4080  }
0x6: {  	s16 =	simm.s32 $0x4880;
	s17 =	simm.s32 $0x5080;
	s18 =	simm.s32 $0x5880  }
0x7: {  	s19 =	simm.s32 $0x6080;
	s20 =	simm.s32 $0x6880;
	s21 =	simm.s32 $0x7080  }
0x8: {  	s22 =	simm.s32 $0x7880;
	s28 =	simm.s32 $0xA080;
	s29 =	simm.s32 $0xA880  }
0x9: {  	s30 =	simm.s32 $0xB080;
	s31 =	simm.s32 $0xB880;
	s3 =	sand.u32 $0x1, s3  }
0xa: {  	[smem:$0x7FF] =	sst s2;
	s4 =	sshll.u32 s1, $0x4;
	s6 =	sshll.u32 s3, $0x3  }
0xb: {  	_ =	strace $0x8000004A;
	s23 =	ssub.s32 $0x2, s3;
	s3 =	sadd.s32 $0x9A00, s0  }
0xc: {  	[dreg:$0x5] =	wrdreg s26;
	s26 =	simm.s32 $0x9880;
	s4 =	sor.u32 s6, s4  }
0xd: {  	s8 =	sshrl.u32 s23, $0x1;
	s7 =	sadd.s32 s4, s0;
	s9 =	smul.u32 $0x300, s4  }
0xe: {  	s6 =	ssub.s32 s23, s8;
	s4 =	sadd.s32 $0x9B00, s0;
	s8 =	simm.s32 $0x80  }
0xf: {  	s23 =	simm.s32 $0x8080;
	s24 =	sadd.s32 $0x1800, s7;
	s6 =	smax.u32 s6, $0x1  }
0x10: {  	v2 =	vlaneseq.u32;
	s7 =	simm.s32 $0x2;
	[dreg:$0x3] =	wrdreg s24;
	s25 =	sadd.s32 s5, s9  }
0x11: {  	vm0 =	vmmov $0xffff;
	v1 =	vshrl.u32 v2, $0x3;
	s5 =	sadd.s32 $0x9C00, s0;
	s9 =	simm.s32 $0x1080;
	s24 =	simm.s32 $0x8880  }
0x12: {  	v0 =	vand.u32 $0x7, v2;
	v2 =	vor.u32 $0x8, v2;
	v1 =	vmul.u32 $0x8, v1;
	s0 =	simm.s32 $0x1;
	[dreg:$0x4] =	wrdreg s25;
	s25 =	simm.s32 $0x9080  }
.LBB2_1:
0x13: {  	s1 =	rddreg [dreg:$0x3]  }
0x14: {  	[tilespmem:s2], [sflag:$0x2] =	stream.linear.gather [hbm4b:s1+s2], $0x40, $0x38;
	[tilespmem:$0xC080] =	vst v63  }
0x15: {  	_ =	swait.ge [sflag:s7], $0x40  }
0x16: {  	[sflag:s7] =	ssyncset.done $0x0  }
0x17: {  	[sflag:s7] =	ssyncadd.s32 $0xFFFFFFC0  }
0x18: {  	v3 =	vld [tilespmem:$0x0];
	_ =	sdelay $0x4  }
0x19: {  	v4 =	vshrl.u32 v3, $0x3  }
0x1a: {  	v4 =	vmul.u32 $0x30, v4  }
0x1b: {  	v3 =	vand.u32 $0x7, v3  }
0x1c: {  	v3 =	vor.u32 v3, v4  }
0x1d: {  	v4 =	vperm.xlane v3, v0;
	_ =	sdelay $0x1  }
0x1e: {  	v4 =	vadd.s32 v1, v4;
	_ =	sdelay $0x3  }
0x1f: {  	v3 =	vperm.xlane v3, v2  }
0x20: {  	[tilespmem:s8], [sflag:$0x1] =	stream.indirect_vreg.gather [hbm4b:s3+s2], $0x80, v4, vm0, $0xb8;
	[tilespmem:$0xC080] =	vst v63  }
0x21: {  	s1 =	rddreg [dreg:$0x5];
	v3 =	vadd.s32 v1, v3  }
0x22: {  	[tilespmem:s1], [sflag:$0x1] =	stream.indirect_vreg.gather [hbm4b:s4+s2], $0x80, v4, vm0, $0xb8;
	[tilespmem:$0xC080] =	vst v63  }
0x23: {  	_ = 	snop  }
0x24: {  	[tilespmem:s9], [sflag:$0x1] =	stream.indirect_vreg.gather [hbm4b:s5+s2], $0x80, v4, vm0, $0xb8;
	[tilespmem:$0xC080] =	vst v63  }
0x25: {  	_ = 	snop  }
0x26: {  	[tilespmem:s10], [sflag:$0x1] =	stream.indirect_vreg.gather [hbm4b:s3+s2], $0x80, v3, vm0, $0xb8;
	[tilespmem:$0xC080] =	vst v63  }
0x27: {  	_ = 	snop  }
0x28: {  	[tilespmem:s11], [sflag:$0x1] =	stream.indirect_vreg.gather [hbm4b:s4+s2], $0x80, v3, vm0, $0xb8;
	[tilespmem:$0xC080] =	vst v63  }
0x29: {  	_ = 	snop  }
0x2a: {  	[tilespmem:s12], [sflag:$0x1] =	stream.indirect_vreg.gather [hbm4b:s5+s2], $0x80, v3, vm0, $0xb8;
	[tilespmem:$0xC080] =	vst v63  }
0x2b: {  	v3 =	vld [tilespmem:$0x10];
	_ =	sdelay $0x4  }
0x2c: {  	v61 =	vshrl.u32 v3, $0x3  }
0x2d: {  	v4 =	vmul.u32 $0x30, v61  }
0x2e: {  	v3 =	vand.u32 $0x7, v3  }
0x2f: {  	v3 =	vor.u32 v3, v4  }
0x30: {  	v4 =	vperm.xlane v3, v0;
	_ =	sdelay $0x1  }
0x31: {  	v4 =	vadd.s32 v1, v4;
	_ =	sdelay $0x3  }
0x32: {  	v3 =	vperm.xlane v3, v2  }
0x33: {  	[tilespmem:s13], [sflag:$0x1] =	stream.indirect_vreg.gather [hbm4b:s3+s2], $0x80, v4, vm0, $0xb8;
	[tilespmem:$0xC080] =	vst v63  }
0x34: {  	v3 =	vadd.s32 v1, v3  }
0x35: {  	[tilespmem:s14], [sflag:$0x1] =	stream.indirect_vreg.gather [hbm4b:s4+s2], $0x80, v4, vm0, $0xb8;
	[tilespmem:$0xC080] =	vst v63  }
0x36: {  	_ = 	snop  }
0x37: {  	[tilespmem:s15], [sflag:$0x1] =	stream.indirect_vreg.gather [hbm4b:s5+s2], $0x80, v4, vm0, $0xb8;
	[tilespmem:$0xC080] =	vst v63  }
0x38: {  	_ = 	snop  }
0x39: {  	[tilespmem:s16], [sflag:$0x1] =	stream.indirect_vreg.gather [hbm4b:s3+s2], $0x80, v3, vm0, $0xb8;
	[tilespmem:$0xC080] =	vst v63  }
0x3a: {  	_ = 	snop  }
0x3b: {  	[tilespmem:s17], [sflag:$0x1] =	stream.indirect_vreg.gather [hbm4b:s4+s2], $0x80, v3, vm0, $0xb8;
	[tilespmem:$0xC080] =	vst v63  }
0x3c: {  	_ = 	snop  }
0x3d: {  	[tilespmem:s18], [sflag:$0x1] =	stream.indirect_vreg.gather [hbm4b:s5+s2], $0x80, v3, vm0, $0xb8;
	[tilespmem:$0xC080] =	vst v63  }
0x3e: {  	v3 =	vld [tilespmem:$0x20];
	_ =	sdelay $0x4  }
0x3f: {  	v62 =	vshrl.u32 v3, $0x3  }
0x40: {  	v4 =	vmul.u32 $0x30, v62  }
0x41: {  	v3 =	vand.u32 $0x7, v3  }
0x42: {  	v3 =	vor.u32 v3, v4  }
0x43: {  	v4 =	vperm.xlane v3, v0;
	_ =	sdelay $0x1  }
0x44: {  	v4 =	vadd.s32 v1, v4;
	_ =	sdelay $0x3  }
0x45: {  	v3 =	vperm.xlane v3, v2  }
0x46: {  	[tilespmem:s19], [sflag:$0x1] =	stream.indirect_vreg.gather [hbm4b:s3+s2], $0x80, v4, vm0, $0xb8;
	[tilespmem:$0xC080] =	vst v63  }
0x47: {  	v3 =	vadd.s32 v1, v3  }
0x48: {  	[tilespmem:s20], [sflag:$0x1] =	stream.indirect_vreg.gather [hbm4b:s4+s2], $0x80, v4, vm0, $0xb8;
	[tilespmem:$0xC080] =	vst v63  }
0x49: {  	_ = 	snop  }
0x4a: {  	[tilespmem:s21], [sflag:$0x1] =	stream.indirect_vreg.gather [hbm4b:s5+s2], $0x80, v4, vm0, $0xb8;
	[tilespmem:$0xC080] =	vst v63  }
0x4b: {  	_ = 	snop  }
0x4c: {  	[tilespmem:s22], [sflag:$0x1] =	stream.indirect_vreg.gather [hbm4b:s3+s2], $0x80, v3, vm0, $0xb8;
	[tilespmem:$0xC080] =	vst v63  }
0x4d: {  	_ = 	snop  }
0x4e: {  	[tilespmem:s23], [sflag:$0x1] =	stream.indirect_vreg.gather [hbm4b:s4+s2], $0x80, v3, vm0, $0xb8;
	[tilespmem:$0xC080] =	vst v63  }
0x4f: {  	_ = 	snop  }
0x50: {  	[tilespmem:s24], [sflag:$0x1] =	stream.indirect_vreg.gather [hbm4b:s5+s2], $0x80, v3, vm0, $0xb8;
	[tilespmem:$0xC080] =	vst v63  }
0x51: {  	v3 =	vld [tilespmem:$0x30];
	_ =	sdelay $0x4  }
0x52: {  	v63 =	vshrl.u32 v3, $0x3  }
0x53: {  	v4 =	vmul.u32 $0x30, v63  }
0x54: {  	v3 =	vand.u32 $0x7, v3  }
0x55: {  	v3 =	vor.u32 v3, v4  }
0x56: {  	v4 =	vperm.xlane v3, v0;
	_ =	sdelay $0x1  }
0x57: {  	v4 =	vadd.s32 v1, v4;
	_ =	sdelay $0x3  }
0x58: {  	v3 =	vperm.xlane v3, v2  }
0x59: {  	[tilespmem:s25], [sflag:$0x1] =	stream.indirect_vreg.gather [hbm4b:s3+s2], $0x80, v4, vm0, $0xb8;
	[tilespmem:$0xC080] =	vst v63  }
0x5a: {  	v3 =	vadd.s32 v1, v3  }
0x5b: {  	[tilespmem:s26], [sflag:$0x1] =	stream.indirect_vreg.gather [hbm4b:s4+s2], $0x80, v4, vm0, $0xb8;
	[tilespmem:$0xC080] =	vst v63  }
0x5c: {  	_ = 	snop  }
0x5d: {  	[tilespmem:s28], [sflag:$0x1] =	stream.indirect_vreg.gather [hbm4b:s5+s2], $0x80, v4, vm0, $0xb8;
	[tilespmem:$0xC080] =	vst v63  }
0x5e: {  	_ = 	snop  }
0x5f: {  	[tilespmem:s29], [sflag:$0x1] =	stream.indirect_vreg.gather [hbm4b:s3+s2], $0x80, v3, vm0, $0xb8;
	[tilespmem:$0xC080] =	vst v63  }
0x60: {  	_ = 	snop  }
0x61: {  	[tilespmem:s30], [sflag:$0x1] =	stream.indirect_vreg.gather [hbm4b:s4+s2], $0x80, v3, vm0, $0xb8;
	[tilespmem:$0xC080] =	vst v63  }
0x62: {  	_ = 	snop  }
0x63: {  	[tilespmem:s31], [sflag:$0x1] =	stream.indirect_vreg.gather [hbm4b:s5+s2], $0x80, v3, vm0, $0xb8;
	[tilespmem:$0xC080] =	vst v63  }
0x64: {  	_ =	swait.ge [sflag:s0], $0xC000  }
0x65: {  	p0 =	sne.s32 s6, $0x1;
	[sflag:s0] =	ssyncset.done $0x0  }
.Ltmp0:
0x66: {  	s1 =	rddreg [dreg:$0x4];
	[sflag:s0] =	ssyncadd.s32 $0xFFFF4000;
	(pc) =	sbr.rel @p0 .LBB2_1-.Ltmp0, $4  }
0x67: {  	[hbm4b:s1+s2] =	stream.linear.scatter [tilespmem:s8], [sflag:$0x2], $0xC000, $0x38;
	[tilespmem:$0xC080] =	vst v63  }
0x68: {  	_ =	swait.ge [sflag:s7], $0xC000  }
0x69: {  	[sflag:s7] =	ssyncset.done $0x0  }
0x6a: {  	s6 =	sadd.s32 $0xFFFFFFFF, s6;
	[sflag:s7] =	ssyncadd.s32 $0xFFFF4000  }
0x6b: {  	_ =	sfence.sel $0x180000  }
0x6c: {  	[bflag:$0x0] =	sbarrier.arrive $0xFFFF  }
0x6d: {  	_ =	strace $0x9000004A  }
0x6e: {  	s0 =	stileid.u32;
	[bflag:$0x2] =	sbarrier.arrive $0xFFFF  }
0x6f: {  	p0 =	sne.s32 s0, $0x0;
	s0 =	rddreg [dreg:$0x2]  }
0x70: {  	s0 =	sadd.s32 @!p0 $0x100000, s0  }
0x71: {  	[sflag:s0] =	ssyncadd.tile.s32 @!p0 $0x1;
	_ =	shalt  }
.Lfunc_end2:
_tile_overlayer_lowered:
.L_overlay_start_2:
0x72: {  	(tag) =	ssettag $0x2  }
0x73: {  	s0 =	rddreg [dreg:$0x0];
	s2 =	stileid.u32  }
0x74: {  	s1 =	rddreg [dreg:$0x1];
	p0 =	sne.s32 s2, $0x0  }
0x75: {  	s3 =	rddreg [dreg:$0x2];
	[bflag:$0x3] =	sbarrier.arrive $0xFFFF;
	s2 =	simm.s32 @!p0 $0x1C02  }
0x76: {  	[timem:s3], [sflag:s2] =	dma.local @!p0 [hbm:s0], s1  }
0x77: {  	s0 =	simm.s32 @!p0 $0x2  }
0x78: {  	_ =	swait.ge @!p0 [sflag:s0], s1  }
0x79: {  	s1 =	ssub.s32 @!p0 $0x0, s1;
	[sflag:s0] =	ssyncset.done @!p0 $0x0  }
0x7a: {  	[sflag:s0] =	ssyncadd.s32 @!p0 s1  }
0x7b: {  	[bflag:$0x3] =	sbarrier.arrive $0xFFFF  }
0x7c: {  	_ =	shalt  }

</sc_bundles>
